<compile_context>
chip_gen: v7x
topology: tpu7x:2x2x1
jax: 0.10.2.dev20260603
libtpu: 0.0.44.dev20260713+nightly
codegen_flags: <defaults>
</compile_context>

<pallas_src>
import functools

import jax
import jax.numpy as jnp
from jax import lax
from jax.experimental import pallas as pl
from jax.experimental.pallas import tpu as pltpu
from jax.experimental.pallas import tpu_sc as plsc

D = 128


@functools.cache
def _build(seq, n_samples):
    info = plsc.get_sparse_core_info()
    nw = info.num_cores * info.num_subcores
    per_w = n_samples // nw
    nb = 7
    k = 3

    mesh = plsc.VectorSubcoreMesh(core_axis_name="c", subcore_axis_name="s")

    @functools.partial(
        pl.kernel,
        mesh=mesh,
        out_type=jax.ShapeDtypeStruct((seq, n_samples, D), jnp.float32),
        scratch_types=[
            pltpu.VMEM((seq, per_w), jnp.int32),
            pltpu.VMEM((nb, per_w, D), jnp.float32),
            pltpu.SemaphoreType.DMA((nb,)),
            pltpu.SemaphoreType.DMA((nb,)),
        ],
    )
    def gather_kernel(xt_hbm, table_hbm, out_hbm, idx_v, rows_v, gsem, ssem):
        wid = lax.axis_index("s") * info.num_cores + lax.axis_index("c")
        s0 = wid * per_w
        pltpu.sync_copy(xt_hbm.at[:, pl.ds(s0, per_w)], idx_v)

        def buf(t):
            return t % nb if isinstance(t, int) else lax.rem(t, nb)

        def gather(t):
            b = buf(t)
            return pltpu.make_async_copy(
                table_hbm.at[idx_v.at[t]], rows_v.at[b], gsem.at[b]
            )

        def store(t):
            b = buf(t)
            return pltpu.make_async_copy(
                rows_v.at[b], out_hbm.at[t, pl.ds(s0, per_w)], ssem.at[b]
            )

        for t in range(nb):
            gather(t).start()
        for t in range(k):
            gather(t).wait()
            store(t).start()

        def body(t, carry):
            gather(t).wait()
            store(t).start()
            d = t - k
            store(d).wait()
            gather(d + nb).start()
            return carry

        lax.fori_loop(k, seq - (nb - k), body, 0)

        for t in range(seq - (nb - k), seq):
            gather(t).wait()
            store(t).start()
        for t in range(seq - nb, seq):
            store(t).wait()

    return gather_kernel


def kernel(x, table):
    n_samples, seq = x.shape
    xt = x.T.astype(jnp.int32)
    out = _build(seq, n_samples)(xt, table)
    return jnp.transpose(out, (1, 0, 2))

# --- scband reference (transcript-rebuilt; emitter-appended) ---
"""Pipeline reference for scband-embedder-9569187135979 (READ-ONLY COPY).

The authoritative reference and input builder live on the scoring server;
editing this copy changes nothing except your own understanding.
"""

import jax, jax.numpy as jnp
import numpy as np

VOCAB = 100000
D_MODEL = 128

def setup_inputs(seed: int = 0) -> dict:
    key = jax.random.key(seed)
    k1, k2 = jax.random.split(key)
    x = jax.random.randint(k1, (4096, 50), 0, VOCAB, dtype=jnp.int64) if jax.config.read('jax_enable_x64') else jax.random.randint(k1, (4096, 50), 0, VOCAB, dtype=jnp.int32)
    table = jax.random.normal(k2, (VOCAB, D_MODEL), dtype=jnp.float32)
    return {"x": x, "table": table}

def reference(x, table):
    # nn.Embedding forward: gather rows of the embedding table
    return jnp.take(table, x, axis=0)

if __name__ == "__main__":
    import jax
    _d = setup_inputs()
    print(jax.jit(kernel)(*tuple(_d.values())))

</pallas_src>

<mosaic_0001>
#map = affine_map<(d0, d1) -> (0, 0)>
#map1 = affine_map<(d0, d1) -> (0, 0, 0)>
module attributes {stable_mosaic.version = 14 : i64} {
  func.func @gather_kernel(%arg0: i32, %arg1: i32, %arg2: memref<50x4096xi32, #tpu.memory_space<hbm>>, %arg3: memref<100000x128xf32, #tpu.memory_space<hbm>>, %arg4: memref<50x4096x128xf32, #tpu.memory_space<hbm>>, %arg5: memref<50x128xi32, #tpu.memory_space<vmem>>, %arg6: memref<7x128x128xf32, #tpu.memory_space<vmem>>, %arg7: memref<7x!tpu.dma_semaphore, #tpu.memory_space<semaphore_mem>>, %arg8: memref<7x!tpu.dma_semaphore, #tpu.memory_space<semaphore_mem>>) attributes {dimension_semantics = [#tpu.dimension_semantics<core_parallel>, #tpu.dimension_semantics<subcore_parallel>], iteration_bounds = array<i64: 2, 16>, scalar_prefetch = 0 : i64, scratch_operands = 4 : i64, tpu.core_type = #tpu.core_type<sc_vector_subcore>, window_params = [{transform_indices = #map}, {transform_indices = #map}, {transform_indices = #map1}]} {
    %mul3A = arith.constant 2 : i32
    %mul3A_0 = arith.muli %arg1, %mul3A : i32
    %add3A = arith.addi %mul3A_0, %arg0 : i32
    %mul3A_1 = arith.constant 128 : i32
    %mul3A_2 = arith.muli %add3A, %mul3A_1 : i32
    "tpu.region"() ({
      %run_scoped3A = tpu.sem_alloc : memref<!tpu.dma_semaphore, #tpu.memory_space<semaphore_mem>>
      %dma_start3A_482 = arith.constant 0 : i32
      %dma_start3A_483 = tpu.memref_slice %arg2[%dma_start3A_482, %mul3A_2] : memref<50x4096xi32, #tpu.memory_space<hbm>> -> memref<50x128xi32, #tpu.memory_space<hbm>>
      %dma_start3A_484 = arith.constant 0 : i32
      %dma_start3A_485 = tpu.memref_slice %arg2[%dma_start3A_484, %mul3A_2] : memref<50x4096xi32, #tpu.memory_space<hbm>> -> memref<50x128xi32, #tpu.memory_space<hbm>>
      tpu.enqueue_dma source(%dma_start3A_485 : memref<50x128xi32, #tpu.memory_space<hbm>>) target(%arg5 : memref<50x128xi32, #tpu.memory_space<vmem>>) target_semaphore(%run_scoped3A : memref<!tpu.dma_semaphore, #tpu.memory_space<semaphore_mem>>)
      %dma_wait3A_486 = arith.constant 0 : i32
      %dma_wait3A_487 = tpu.memref_slice %arg2[%dma_wait3A_486, %mul3A_2] : memref<50x4096xi32, #tpu.memory_space<hbm>> -> memref<50x128xi32, #tpu.memory_space<hbm>>
      %dma_wait3A_488 = arith.constant 0 : i32
      %dma_wait3A_489 = tpu.memref_slice %arg2[%dma_wait3A_488, %mul3A_2] : memref<50x4096xi32, #tpu.memory_space<hbm>> -> memref<50x128xi32, #tpu.memory_space<hbm>>
      tpu.wait_dma2 semaphore(%run_scoped3A : memref<!tpu.dma_semaphore, #tpu.memory_space<semaphore_mem>>) src(%dma_wait3A_489 : memref<50x128xi32, #tpu.memory_space<hbm>>) dst(%arg5 : memref<50x128xi32, #tpu.memory_space<vmem>>)
      tpu.yield
    }) : () -> ()
    %dma_start3A = arith.constant 0 : i32
    %dma_start3A_3 = arith.constant 0 : i32
    %dma_start3A_4 = arith.constant 0 : i32
    %dma_start3A_5 = arith.constant 0 : i32
    %dma_start3A_6 = arith.constant 0 : i32
    %dma_start3A_7 = tpu.memref_slice %arg6[%dma_start3A_3, %dma_start3A_5, %dma_start3A_6] : memref<7x128x128xf32, #tpu.memory_space<vmem>> -> memref<1x128x128xf32, #tpu.memory_space<vmem>>
    %dma_start3A_8 = tpu.memref_squeeze %dma_start3A_7 : memref<1x128x128xf32, #tpu.memory_space<vmem>> -> memref<128x128xf32, #tpu.memory_space<vmem>>
    %dma_start3A_9 = arith.constant 0 : i32
    %dma_start3A_10 = tpu.memref_slice %arg5[%dma_start3A, %dma_start3A_9] : memref<50x128xi32, #tpu.memory_space<vmem>> -> memref<1x128xi32, #tpu.memory_space<vmem>>
    %dma_start3A_11 = tpu.memref_squeeze %dma_start3A_10 : memref<1x128xi32, #tpu.memory_space<vmem>> -> memref<128xi32, #tpu.memory_space<vmem>>
    %dma_start3A_12 = arith.constant 0 : i32
    %dma_start3A_13 = arith.constant 0 : i32
    %dma_start3A_14 = tpu.memref_slice %arg3[%dma_start3A_12, %dma_start3A_13] : memref<100000x128xf32, #tpu.memory_space<hbm>> -> memref<100000x128xf32, #tpu.memory_space<hbm>>
    %dma_start3A_15 = tpu.memref_slice %arg7[%dma_start3A_4] : memref<7x!tpu.dma_semaphore, #tpu.memory_space<semaphore_mem>> -> memref<1x!tpu.dma_semaphore, #tpu.memory_space<semaphore_mem>>
    %dma_start3A_16 = tpu.memref_squeeze %dma_start3A_15 : memref<1x!tpu.dma_semaphore, #tpu.memory_space<semaphore_mem>> -> memref<!tpu.dma_semaphore, #tpu.memory_space<semaphore_mem>>
    tpu.enqueue_indirect_dma source(%dma_start3A_14 : memref<100000x128xf32, #tpu.memory_space<hbm>>) target(%dma_start3A_8 : memref<128x128xf32, #tpu.memory_space<vmem>>) offsets(%dma_start3A_11 : memref<128xi32, #tpu.memory_space<vmem>>) semaphore(%dma_start3A_16 : memref<!tpu.dma_semaphore, #tpu.memory_space<semaphore_mem>>)
    %dma_start3A_17 = arith.constant 1 : i32
    %dma_start3A_18 = arith.constant 1 : i32
    %dma_start3A_19 = arith.constant 1 : i32
    %dma_start3A_20 = arith.constant 0 : i32
    %dma_start3A_21 = arith.constant 0 : i32
    %dma_start3A_22 = tpu.memref_slice %arg6[%dma_start3A_18, %dma_start3A_20, %dma_start3A_21] : memref<7x128x128xf32, #tpu.memory_space<vmem>> -> memref<1x128x128xf32, #tpu.memory_space<vmem>>
    %dma_start3A_23 = tpu.memref_squeeze %dma_start3A_22 : memref<1x128x128xf32, #tpu.memory_space<vmem>> -> memref<128x128xf32, #tpu.memory_space<vmem>>
    %dma_start3A_24 = arith.constant 0 : i32
    %dma_start3A_25 = tpu.memref_slice %arg5[%dma_start3A_17, %dma_start3A_24] : memref<50x128xi32, #tpu.memory_space<vmem>> -> memref<1x128xi32, #tpu.memory_space<vmem>>
    %dma_start3A_26 = tpu.memref_squeeze %dma_start3A_25 : memref<1x128xi32, #tpu.memory_space<vmem>> -> memref<128xi32, #tpu.memory_space<vmem>>
    %dma_start3A_27 = arith.constant 0 : i32
    %dma_start3A_28 = arith.constant 0 : i32
    %dma_start3A_29 = tpu.memref_slice %arg3[%dma_start3A_27, %dma_start3A_28] : memref<100000x128xf32, #tpu.memory_space<hbm>> -> memref<100000x128xf32, #tpu.memory_space<hbm>>
    %dma_start3A_30 = tpu.memref_slice %arg7[%dma_start3A_19] : memref<7x!tpu.dma_semaphore, #tpu.memory_space<semaphore_mem>> -> memref<1x!tpu.dma_semaphore, #tpu.memory_space<semaphore_mem>>
    %dma_start3A_31 = tpu.memref_squeeze %dma_start3A_30 : memref<1x!tpu.dma_semaphore, #tpu.memory_space<semaphore_mem>> -> memref<!tpu.dma_semaphore, #tpu.memory_space<semaphore_mem>>
    tpu.enqueue_indirect_dma source(%dma_start3A_29 : memref<100000x128xf32, #tpu.memory_space<hbm>>) target(%dma_start3A_23 : memref<128x128xf32, #tpu.memory_space<vmem>>) offsets(%dma_start3A_26 : memref<128xi32, #tpu.memory_space<vmem>>) semaphore(%dma_start3A_31 : memref<!tpu.dma_semaphore, #tpu.memory_space<semaphore_mem>>)
    %dma_start3A_32 = arith.constant 2 : i32
    %dma_start3A_33 = arith.constant 2 : i32
    %dma_start3A_34 = arith.constant 2 : i32
    %dma_start3A_35 = arith.constant 0 : i32
    %dma_start3A_36 = arith.constant 0 : i32
    %dma_start3A_37 = tpu.memref_slice %arg6[%dma_start3A_33, %dma_start3A_35, %dma_start3A_36] : memref<7x128x128xf32, #tpu.memory_space<vmem>> -> memref<1x128x128xf32, #tpu.memory_space<vmem>>
    %dma_start3A_38 = tpu.memref_squeeze %dma_start3A_37 : memref<1x128x128xf32, #tpu.memory_space<vmem>> -> memref<128x128xf32, #tpu.memory_space<vmem>>
    %dma_start3A_39 = arith.constant 0 : i32
    %dma_start3A_40 = tpu.memref_slice %arg5[%dma_start3A_32, %dma_start3A_39] : memref<50x128xi32, #tpu.memory_space<vmem>> -> memref<1x128xi32, #tpu.memory_space<vmem>>
    %dma_start3A_41 = tpu.memref_squeeze %dma_start3A_40 : memref<1x128xi32, #tpu.memory_space<vmem>> -> memref<128xi32, #tpu.memory_space<vmem>>
    %dma_start3A_42 = arith.constant 0 : i32
    %dma_start3A_43 = arith.constant 0 : i32
    %dma_start3A_44 = tpu.memref_slice %arg3[%dma_start3A_42, %dma_start3A_43] : memref<100000x128xf32, #tpu.memory_space<hbm>> -> memref<100000x128xf32, #tpu.memory_space<hbm>>
    %dma_start3A_45 = tpu.memref_slice %arg7[%dma_start3A_34] : memref<7x!tpu.dma_semaphore, #tpu.memory_space<semaphore_mem>> -> memref<1x!tpu.dma_semaphore, #tpu.memory_space<semaphore_mem>>
    %dma_start3A_46 = tpu.memref_squeeze %dma_start3A_45 : memref<1x!tpu.dma_semaphore, #tpu.memory_space<semaphore_mem>> -> memref<!tpu.dma_semaphore, #tpu.memory_space<semaphore_mem>>
    tpu.enqueue_indirect_dma source(%dma_start3A_44 : memref<100000x128xf32, #tpu.memory_space<hbm>>) target(%dma_start3A_38 : memref<128x128xf32, #tpu.memory_space<vmem>>) offsets(%dma_start3A_41 : memref<128xi32, #tpu.memory_space<vmem>>) semaphore(%dma_start3A_46 : memref<!tpu.dma_semaphore, #tpu.memory_space<semaphore_mem>>)
    %dma_start3A_47 = arith.constant 3 : i32
    %dma_start3A_48 = arith.constant 3 : i32
    %dma_start3A_49 = arith.constant 3 : i32
    %dma_start3A_50 = arith.constant 0 : i32
    %dma_start3A_51 = arith.constant 0 : i32
    %dma_start3A_52 = tpu.memref_slice %arg6[%dma_start3A_48, %dma_start3A_50, %dma_start3A_51] : memref<7x128x128xf32, #tpu.memory_space<vmem>> -> memref<1x128x128xf32, #tpu.memory_space<vmem>>
    %dma_start3A_53 = tpu.memref_squeeze %dma_start3A_52 : memref<1x128x128xf32, #tpu.memory_space<vmem>> -> memref<128x128xf32, #tpu.memory_space<vmem>>
    %dma_start3A_54 = arith.constant 0 : i32
    %dma_start3A_55 = tpu.memref_slice %arg5[%dma_start3A_47, %dma_start3A_54] : memref<50x128xi32, #tpu.memory_space<vmem>> -> memref<1x128xi32, #tpu.memory_space<vmem>>
    %dma_start3A_56 = tpu.memref_squeeze %dma_start3A_55 : memref<1x128xi32, #tpu.memory_space<vmem>> -> memref<128xi32, #tpu.memory_space<vmem>>
    %dma_start3A_57 = arith.constant 0 : i32
    %dma_start3A_58 = arith.constant 0 : i32
    %dma_start3A_59 = tpu.memref_slice %arg3[%dma_start3A_57, %dma_start3A_58] : memref<100000x128xf32, #tpu.memory_space<hbm>> -> memref<100000x128xf32, #tpu.memory_space<hbm>>
    %dma_start3A_60 = tpu.memref_slice %arg7[%dma_start3A_49] : memref<7x!tpu.dma_semaphore, #tpu.memory_space<semaphore_mem>> -> memref<1x!tpu.dma_semaphore, #tpu.memory_space<semaphore_mem>>
    %dma_start3A_61 = tpu.memref_squeeze %dma_start3A_60 : memref<1x!tpu.dma_semaphore, #tpu.memory_space<semaphore_mem>> -> memref<!tpu.dma_semaphore, #tpu.memory_space<semaphore_mem>>
    tpu.enqueue_indirect_dma source(%dma_start3A_59 : memref<100000x128xf32, #tpu.memory_space<hbm>>) target(%dma_start3A_53 : memref<128x128xf32, #tpu.memory_space<vmem>>) offsets(%dma_start3A_56 : memref<128xi32, #tpu.memory_space<vmem>>) semaphore(%dma_start3A_61 : memref<!tpu.dma_semaphore, #tpu.memory_space<semaphore_mem>>)
    %dma_start3A_62 = arith.constant 4 : i32
    %dma_start3A_63 = arith.constant 4 : i32
    %dma_start3A_64 = arith.constant 4 : i32
    %dma_start3A_65 = arith.constant 0 : i32
    %dma_start3A_66 = arith.constant 0 : i32
    %dma_start3A_67 = tpu.memref_slice %arg6[%dma_start3A_63, %dma_start3A_65, %dma_start3A_66] : memref<7x128x128xf32, #tpu.memory_space<vmem>> -> memref<1x128x128xf32, #tpu.memory_space<vmem>>
    %dma_start3A_68 = tpu.memref_squeeze %dma_start3A_67 : memref<1x128x128xf32, #tpu.memory_space<vmem>> -> memref<128x128xf32, #tpu.memory_space<vmem>>
    %dma_start3A_69 = arith.constant 0 : i32
    %dma_start3A_70 = tpu.memref_slice %arg5[%dma_start3A_62, %dma_start3A_69] : memref<50x128xi32, #tpu.memory_space<vmem>> -> memref<1x128xi32, #tpu.memory_space<vmem>>
    %dma_start3A_71 = tpu.memref_squeeze %dma_start3A_70 : memref<1x128xi32, #tpu.memory_space<vmem>> -> memref<128xi32, #tpu.memory_space<vmem>>
    %dma_start3A_72 = arith.constant 0 : i32
    %dma_start3A_73 = arith.constant 0 : i32
    %dma_start3A_74 = tpu.memref_slice %arg3[%dma_start3A_72, %dma_start3A_73] : memref<100000x128xf32, #tpu.memory_space<hbm>> -> memref<100000x128xf32, #tpu.memory_space<hbm>>
    %dma_start3A_75 = tpu.memref_slice %arg7[%dma_start3A_64] : memref<7x!tpu.dma_semaphore, #tpu.memory_space<semaphore_mem>> -> memref<1x!tpu.dma_semaphore, #tpu.memory_space<semaphore_mem>>
    %dma_start3A_76 = tpu.memref_squeeze %dma_start3A_75 : memref<1x!tpu.dma_semaphore, #tpu.memory_space<semaphore_mem>> -> memref<!tpu.dma_semaphore, #tpu.memory_space<semaphore_mem>>
    tpu.enqueue_indirect_dma source(%dma_start3A_74 : memref<100000x128xf32, #tpu.memory_space<hbm>>) target(%dma_start3A_68 : memref<128x128xf32, #tpu.memory_space<vmem>>) offsets(%dma_start3A_71 : memref<128xi32, #tpu.memory_space<vmem>>) semaphore(%dma_start3A_76 : memref<!tpu.dma_semaphore, #tpu.memory_space<semaphore_mem>>)
    %dma_start3A_77 = arith.constant 5 : i32
    %dma_start3A_78 = arith.constant 5 : i32
    %dma_start3A_79 = arith.constant 5 : i32
    %dma_start3A_80 = arith.constant 0 : i32
    %dma_start3A_81 = arith.constant 0 : i32
    %dma_start3A_82 = tpu.memref_slice %arg6[%dma_start3A_78, %dma_start3A_80, %dma_start3A_81] : memref<7x128x128xf32, #tpu.memory_space<vmem>> -> memref<1x128x128xf32, #tpu.memory_space<vmem>>
    %dma_start3A_83 = tpu.memref_squeeze %dma_start3A_82 : memref<1x128x128xf32, #tpu.memory_space<vmem>> -> memref<128x128xf32, #tpu.memory_space<vmem>>
    %dma_start3A_84 = arith.constant 0 : i32
    %dma_start3A_85 = tpu.memref_slice %arg5[%dma_start3A_77, %dma_start3A_84] : memref<50x128xi32, #tpu.memory_space<vmem>> -> memref<1x128xi32, #tpu.memory_space<vmem>>
    %dma_start3A_86 = tpu.memref_squeeze %dma_start3A_85 : memref<1x128xi32, #tpu.memory_space<vmem>> -> memref<128xi32, #tpu.memory_space<vmem>>
    %dma_start3A_87 = arith.constant 0 : i32
    %dma_start3A_88 = arith.constant 0 : i32
    %dma_start3A_89 = tpu.memref_slice %arg3[%dma_start3A_87, %dma_start3A_88] : memref<100000x128xf32, #tpu.memory_space<hbm>> -> memref<100000x128xf32, #tpu.memory_space<hbm>>
    %dma_start3A_90 = tpu.memref_slice %arg7[%dma_start3A_79] : memref<7x!tpu.dma_semaphore, #tpu.memory_space<semaphore_mem>> -> memref<1x!tpu.dma_semaphore, #tpu.memory_space<semaphore_mem>>
    %dma_start3A_91 = tpu.memref_squeeze %dma_start3A_90 : memref<1x!tpu.dma_semaphore, #tpu.memory_space<semaphore_mem>> -> memref<!tpu.dma_semaphore, #tpu.memory_space<semaphore_mem>>
    tpu.enqueue_indirect_dma source(%dma_start3A_89 : memref<100000x128xf32, #tpu.memory_space<hbm>>) target(%dma_start3A_83 : memref<128x128xf32, #tpu.memory_space<vmem>>) offsets(%dma_start3A_86 : memref<128xi32, #tpu.memory_space<vmem>>) semaphore(%dma_start3A_91 : memref<!tpu.dma_semaphore, #tpu.memory_space<semaphore_mem>>)
    %dma_start3A_92 = arith.constant 6 : i32
    %dma_start3A_93 = arith.constant 6 : i32
    %dma_start3A_94 = arith.constant 6 : i32
    %dma_start3A_95 = arith.constant 0 : i32
    %dma_start3A_96 = arith.constant 0 : i32
    %dma_start3A_97 = tpu.memref_slice %arg6[%dma_start3A_93, %dma_start3A_95, %dma_start3A_96] : memref<7x128x128xf32, #tpu.memory_space<vmem>> -> memref<1x128x128xf32, #tpu.memory_space<vmem>>
    %dma_start3A_98 = tpu.memref_squeeze %dma_start3A_97 : memref<1x128x128xf32, #tpu.memory_space<vmem>> -> memref<128x128xf32, #tpu.memory_space<vmem>>
    %dma_start3A_99 = arith.constant 0 : i32
    %dma_start3A_100 = tpu.memref_slice %arg5[%dma_start3A_92, %dma_start3A_99] : memref<50x128xi32, #tpu.memory_space<vmem>> -> memref<1x128xi32, #tpu.memory_space<vmem>>
    %dma_start3A_101 = tpu.memref_squeeze %dma_start3A_100 : memref<1x128xi32, #tpu.memory_space<vmem>> -> memref<128xi32, #tpu.memory_space<vmem>>
    %dma_start3A_102 = arith.constant 0 : i32
    %dma_start3A_103 = arith.constant 0 : i32
    %dma_start3A_104 = tpu.memref_slice %arg3[%dma_start3A_102, %dma_start3A_103] : memref<100000x128xf32, #tpu.memory_space<hbm>> -> memref<100000x128xf32, #tpu.memory_space<hbm>>
    %dma_start3A_105 = tpu.memref_slice %arg7[%dma_start3A_94] : memref<7x!tpu.dma_semaphore, #tpu.memory_space<semaphore_mem>> -> memref<1x!tpu.dma_semaphore, #tpu.memory_space<semaphore_mem>>
    %dma_start3A_106 = tpu.memref_squeeze %dma_start3A_105 : memref<1x!tpu.dma_semaphore, #tpu.memory_space<semaphore_mem>> -> memref<!tpu.dma_semaphore, #tpu.memory_space<semaphore_mem>>
    tpu.enqueue_indirect_dma source(%dma_start3A_104 : memref<100000x128xf32, #tpu.memory_space<hbm>>) target(%dma_start3A_98 : memref<128x128xf32, #tpu.memory_space<vmem>>) offsets(%dma_start3A_101 : memref<128xi32, #tpu.memory_space<vmem>>) semaphore(%dma_start3A_106 : memref<!tpu.dma_semaphore, #tpu.memory_space<semaphore_mem>>)
    %dma_wait3A = arith.constant 0 : i32
    %dma_wait3A_107 = arith.constant 0 : i32
    %dma_wait3A_108 = arith.constant 0 : i32
    %dma_wait3A_109 = arith.constant 0 : i32
    %dma_wait3A_110 = arith.constant 0 : i32
    %dma_wait3A_111 = tpu.memref_slice %arg6[%dma_wait3A_107, %dma_wait3A_109, %dma_wait3A_110] : memref<7x128x128xf32, #tpu.memory_space<vmem>> -> memref<1x128x128xf32, #tpu.memory_space<vmem>>
    %dma_wait3A_112 = tpu.memref_squeeze %dma_wait3A_111 : memref<1x128x128xf32, #tpu.memory_space<vmem>> -> memref<128x128xf32, #tpu.memory_space<vmem>>
    %dma_wait3A_113 = arith.constant 0 : i32
    %dma_wait3A_114 = tpu.memref_slice %arg5[%dma_wait3A, %dma_wait3A_113] : memref<50x128xi32, #tpu.memory_space<vmem>> -> memref<1x128xi32, #tpu.memory_space<vmem>>
    %dma_wait3A_115 = tpu.memref_squeeze %dma_wait3A_114 : memref<1x128xi32, #tpu.memory_space<vmem>> -> memref<128xi32, #tpu.memory_space<vmem>>
    %dma_wait3A_116 = arith.constant 0 : i32
    %dma_wait3A_117 = arith.constant 0 : i32
    %dma_wait3A_118 = tpu.memref_slice %arg3[%dma_wait3A_116, %dma_wait3A_117] : memref<100000x128xf32, #tpu.memory_space<hbm>> -> memref<100000x128xf32, #tpu.memory_space<hbm>>
    %dma_wait3A_119 = tpu.memref_slice %arg7[%dma_wait3A_108] : memref<7x!tpu.dma_semaphore, #tpu.memory_space<semaphore_mem>> -> memref<1x!tpu.dma_semaphore, #tpu.memory_space<semaphore_mem>>
    %dma_wait3A_120 = tpu.memref_squeeze %dma_wait3A_119 : memref<1x!tpu.dma_semaphore, #tpu.memory_space<semaphore_mem>> -> memref<!tpu.dma_semaphore, #tpu.memory_space<semaphore_mem>>
    tpu.wait_indirect_dma semaphore(%dma_wait3A_120 : memref<!tpu.dma_semaphore, #tpu.memory_space<semaphore_mem>>) src(%dma_wait3A_118 : memref<100000x128xf32, #tpu.memory_space<hbm>>) dst(%dma_wait3A_112 : memref<128x128xf32, #tpu.memory_space<vmem>>)
    %dma_start3A_121 = arith.constant 0 : i32
    %dma_start3A_122 = arith.constant 0 : i32
    %dma_start3A_123 = arith.constant 0 : i32
    %dma_start3A_124 = arith.constant 0 : i32
    %dma_start3A_125 = arith.constant 0 : i32
    %dma_start3A_126 = tpu.memref_slice %arg6[%dma_start3A_121, %dma_start3A_124, %dma_start3A_125] : memref<7x128x128xf32, #tpu.memory_space<vmem>> -> memref<1x128x128xf32, #tpu.memory_space<vmem>>
    %dma_start3A_127 = tpu.memref_squeeze %dma_start3A_126 : memref<1x128x128xf32, #tpu.memory_space<vmem>> -> memref<128x128xf32, #tpu.memory_space<vmem>>
    %dma_start3A_128 = arith.constant 0 : i32
    %dma_start3A_129 = tpu.memref_slice %arg4[%dma_start3A_122, %mul3A_2, %dma_start3A_128] : memref<50x4096x128xf32, #tpu.memory_space<hbm>> -> memref<1x128x128xf32, #tpu.memory_space<hbm>>
    %dma_start3A_130 = tpu.memref_squeeze %dma_start3A_129 : memref<1x128x128xf32, #tpu.memory_space<hbm>> -> memref<128x128xf32, #tpu.memory_space<hbm>>
    %dma_start3A_131 = tpu.memref_slice %arg8[%dma_start3A_123] : memref<7x!tpu.dma_semaphore, #tpu.memory_space<semaphore_mem>> -> memref<1x!tpu.dma_semaphore, #tpu.memory_space<semaphore_mem>>
    %dma_start3A_132 = tpu.memref_squeeze %dma_start3A_131 : memref<1x!tpu.dma_semaphore, #tpu.memory_space<semaphore_mem>> -> memref<!tpu.dma_semaphore, #tpu.memory_space<semaphore_mem>>
    %dma_start3A_133 = arith.constant 0 : i32
    %dma_start3A_134 = tpu.memref_slice %arg4[%dma_start3A_122, %mul3A_2, %dma_start3A_133] : memref<50x4096x128xf32, #tpu.memory_space<hbm>> -> memref<1x128x128xf32, #tpu.memory_space<hbm>>
    %dma_start3A_135 = tpu.memref_squeeze %dma_start3A_134 : memref<1x128x128xf32, #tpu.memory_space<hbm>> -> memref<128x128xf32, #tpu.memory_space<hbm>>
    %dma_start3A_136 = arith.constant 0 : i32
    %dma_start3A_137 = arith.constant 0 : i32
    %dma_start3A_138 = tpu.memref_slice %arg6[%dma_start3A_121, %dma_start3A_136, %dma_start3A_137] : memref<7x128x128xf32, #tpu.memory_space<vmem>> -> memref<1x128x128xf32, #tpu.memory_space<vmem>>
    %dma_start3A_139 = tpu.memref_squeeze %dma_start3A_138 : memref<1x128x128xf32, #tpu.memory_space<vmem>> -> memref<128x128xf32, #tpu.memory_space<vmem>>
    tpu.enqueue_dma source(%dma_start3A_139 : memref<128x128xf32, #tpu.memory_space<vmem>>) target(%dma_start3A_135 : memref<128x128xf32, #tpu.memory_space<hbm>>) target_semaphore(%dma_start3A_132 : memref<!tpu.dma_semaphore, #tpu.memory_space<semaphore_mem>>)
    %dma_wait3A_140 = arith.constant 1 : i32
    %dma_wait3A_141 = arith.constant 1 : i32
    %dma_wait3A_142 = arith.constant 1 : i32
    %dma_wait3A_143 = arith.constant 0 : i32
    %dma_wait3A_144 = arith.constant 0 : i32
    %dma_wait3A_145 = tpu.memref_slice %arg6[%dma_wait3A_141, %dma_wait3A_143, %dma_wait3A_144] : memref<7x128x128xf32, #tpu.memory_space<vmem>> -> memref<1x128x128xf32, #tpu.memory_space<vmem>>
    %dma_wait3A_146 = tpu.memref_squeeze %dma_wait3A_145 : memref<1x128x128xf32, #tpu.memory_space<vmem>> -> memref<128x128xf32, #tpu.memory_space<vmem>>
    %dma_wait3A_147 = arith.constant 0 : i32
    %dma_wait3A_148 = tpu.memref_slice %arg5[%dma_wait3A_140, %dma_wait3A_147] : memref<50x128xi32, #tpu.memory_space<vmem>> -> memref<1x128xi32, #tpu.memory_space<vmem>>
    %dma_wait3A_149 = tpu.memref_squeeze %dma_wait3A_148 : memref<1x128xi32, #tpu.memory_space<vmem>> -> memref<128xi32, #tpu.memory_space<vmem>>
    %dma_wait3A_150 = arith.constant 0 : i32
    %dma_wait3A_151 = arith.constant 0 : i32
    %dma_wait3A_152 = tpu.memref_slice %arg3[%dma_wait3A_150, %dma_wait3A_151] : memref<100000x128xf32, #tpu.memory_space<hbm>> -> memref<100000x128xf32, #tpu.memory_space<hbm>>
    %dma_wait3A_153 = tpu.memref_slice %arg7[%dma_wait3A_142] : memref<7x!tpu.dma_semaphore, #tpu.memory_space<semaphore_mem>> -> memref<1x!tpu.dma_semaphore, #tpu.memory_space<semaphore_mem>>
    %dma_wait3A_154 = tpu.memref_squeeze %dma_wait3A_153 : memref<1x!tpu.dma_semaphore, #tpu.memory_space<semaphore_mem>> -> memref<!tpu.dma_semaphore, #tpu.memory_space<semaphore_mem>>
    tpu.wait_indirect_dma semaphore(%dma_wait3A_154 : memref<!tpu.dma_semaphore, #tpu.memory_space<semaphore_mem>>) src(%dma_wait3A_152 : memref<100000x128xf32, #tpu.memory_space<hbm>>) dst(%dma_wait3A_146 : memref<128x128xf32, #tpu.memory_space<vmem>>)
    %dma_start3A_155 = arith.constant 1 : i32
    %dma_start3A_156 = arith.constant 1 : i32
    %dma_start3A_157 = arith.constant 1 : i32
    %dma_start3A_158 = arith.constant 0 : i32
    %dma_start3A_159 = arith.constant 0 : i32
    %dma_start3A_160 = tpu.memref_slice %arg6[%dma_start3A_155, %dma_start3A_158, %dma_start3A_159] : memref<7x128x128xf32, #tpu.memory_space<vmem>> -> memref<1x128x128xf32, #tpu.memory_space<vmem>>
    %dma_start3A_161 = tpu.memref_squeeze %dma_start3A_160 : memref<1x128x128xf32, #tpu.memory_space<vmem>> -> memref<128x128xf32, #tpu.memory_space<vmem>>
    %dma_start3A_162 = arith.constant 0 : i32
    %dma_start3A_163 = tpu.memref_slice %arg4[%dma_start3A_156, %mul3A_2, %dma_start3A_162] : memref<50x4096x128xf32, #tpu.memory_space<hbm>> -> memref<1x128x128xf32, #tpu.memory_space<hbm>>
    %dma_start3A_164 = tpu.memref_squeeze %dma_start3A_163 : memref<1x128x128xf32, #tpu.memory_space<hbm>> -> memref<128x128xf32, #tpu.memory_space<hbm>>
    %dma_start3A_165 = tpu.memref_slice %arg8[%dma_start3A_157] : memref<7x!tpu.dma_semaphore, #tpu.memory_space<semaphore_mem>> -> memref<1x!tpu.dma_semaphore, #tpu.memory_space<semaphore_mem>>
    %dma_start3A_166 = tpu.memref_squeeze %dma_start3A_165 : memref<1x!tpu.dma_semaphore, #tpu.memory_space<semaphore_mem>> -> memref<!tpu.dma_semaphore, #tpu.memory_space<semaphore_mem>>
    %dma_start3A_167 = arith.constant 0 : i32
    %dma_start3A_168 = tpu.memref_slice %arg4[%dma_start3A_156, %mul3A_2, %dma_start3A_167] : memref<50x4096x128xf32, #tpu.memory_space<hbm>> -> memref<1x128x128xf32, #tpu.memory_space<hbm>>
    %dma_start3A_169 = tpu.memref_squeeze %dma_start3A_168 : memref<1x128x128xf32, #tpu.memory_space<hbm>> -> memref<128x128xf32, #tpu.memory_space<hbm>>
    %dma_start3A_170 = arith.constant 0 : i32
    %dma_start3A_171 = arith.constant 0 : i32
    %dma_start3A_172 = tpu.memref_slice %arg6[%dma_start3A_155, %dma_start3A_170, %dma_start3A_171] : memref<7x128x128xf32, #tpu.memory_space<vmem>> -> memref<1x128x128xf32, #tpu.memory_space<vmem>>
    %dma_start3A_173 = tpu.memref_squeeze %dma_start3A_172 : memref<1x128x128xf32, #tpu.memory_space<vmem>> -> memref<128x128xf32, #tpu.memory_space<vmem>>
    tpu.enqueue_dma source(%dma_start3A_173 : memref<128x128xf32, #tpu.memory_space<vmem>>) target(%dma_start3A_169 : memref<128x128xf32, #tpu.memory_space<hbm>>) target_semaphore(%dma_start3A_166 : memref<!tpu.dma_semaphore, #tpu.memory_space<semaphore_mem>>)
    %dma_wait3A_174 = arith.constant 2 : i32
    %dma_wait3A_175 = arith.constant 2 : i32
    %dma_wait3A_176 = arith.constant 2 : i32
    %dma_wait3A_177 = arith.constant 0 : i32
    %dma_wait3A_178 = arith.constant 0 : i32
    %dma_wait3A_179 = tpu.memref_slice %arg6[%dma_wait3A_175, %dma_wait3A_177, %dma_wait3A_178] : memref<7x128x128xf32, #tpu.memory_space<vmem>> -> memref<1x128x128xf32, #tpu.memory_space<vmem>>
    %dma_wait3A_180 = tpu.memref_squeeze %dma_wait3A_179 : memref<1x128x128xf32, #tpu.memory_space<vmem>> -> memref<128x128xf32, #tpu.memory_space<vmem>>
    %dma_wait3A_181 = arith.constant 0 : i32
    %dma_wait3A_182 = tpu.memref_slice %arg5[%dma_wait3A_174, %dma_wait3A_181] : memref<50x128xi32, #tpu.memory_space<vmem>> -> memref<1x128xi32, #tpu.memory_space<vmem>>
    %dma_wait3A_183 = tpu.memref_squeeze %dma_wait3A_182 : memref<1x128xi32, #tpu.memory_space<vmem>> -> memref<128xi32, #tpu.memory_space<vmem>>
    %dma_wait3A_184 = arith.constant 0 : i32
    %dma_wait3A_185 = arith.constant 0 : i32
    %dma_wait3A_186 = tpu.memref_slice %arg3[%dma_wait3A_184, %dma_wait3A_185] : memref<100000x128xf32, #tpu.memory_space<hbm>> -> memref<100000x128xf32, #tpu.memory_space<hbm>>
    %dma_wait3A_187 = tpu.memref_slice %arg7[%dma_wait3A_176] : memref<7x!tpu.dma_semaphore, #tpu.memory_space<semaphore_mem>> -> memref<1x!tpu.dma_semaphore, #tpu.memory_space<semaphore_mem>>
    %dma_wait3A_188 = tpu.memref_squeeze %dma_wait3A_187 : memref<1x!tpu.dma_semaphore, #tpu.memory_space<semaphore_mem>> -> memref<!tpu.dma_semaphore, #tpu.memory_space<semaphore_mem>>
    tpu.wait_indirect_dma semaphore(%dma_wait3A_188 : memref<!tpu.dma_semaphore, #tpu.memory_space<semaphore_mem>>) src(%dma_wait3A_186 : memref<100000x128xf32, #tpu.memory_space<hbm>>) dst(%dma_wait3A_180 : memref<128x128xf32, #tpu.memory_space<vmem>>)
    %dma_start3A_189 = arith.constant 2 : i32
    %dma_start3A_190 = arith.constant 2 : i32
    %dma_start3A_191 = arith.constant 2 : i32
    %dma_start3A_192 = arith.constant 0 : i32
    %dma_start3A_193 = arith.constant 0 : i32
    %dma_start3A_194 = tpu.memref_slice %arg6[%dma_start3A_189, %dma_start3A_192, %dma_start3A_193] : memref<7x128x128xf32, #tpu.memory_space<vmem>> -> memref<1x128x128xf32, #tpu.memory_space<vmem>>
    %dma_start3A_195 = tpu.memref_squeeze %dma_start3A_194 : memref<1x128x128xf32, #tpu.memory_space<vmem>> -> memref<128x128xf32, #tpu.memory_space<vmem>>
    %dma_start3A_196 = arith.constant 0 : i32
    %dma_start3A_197 = tpu.memref_slice %arg4[%dma_start3A_190, %mul3A_2, %dma_start3A_196] : memref<50x4096x128xf32, #tpu.memory_space<hbm>> -> memref<1x128x128xf32, #tpu.memory_space<hbm>>
    %dma_start3A_198 = tpu.memref_squeeze %dma_start3A_197 : memref<1x128x128xf32, #tpu.memory_space<hbm>> -> memref<128x128xf32, #tpu.memory_space<hbm>>
    %dma_start3A_199 = tpu.memref_slice %arg8[%dma_start3A_191] : memref<7x!tpu.dma_semaphore, #tpu.memory_space<semaphore_mem>> -> memref<1x!tpu.dma_semaphore, #tpu.memory_space<semaphore_mem>>
    %dma_start3A_200 = tpu.memref_squeeze %dma_start3A_199 : memref<1x!tpu.dma_semaphore, #tpu.memory_space<semaphore_mem>> -> memref<!tpu.dma_semaphore, #tpu.memory_space<semaphore_mem>>
    %dma_start3A_201 = arith.constant 0 : i32
    %dma_start3A_202 = tpu.memref_slice %arg4[%dma_start3A_190, %mul3A_2, %dma_start3A_201] : memref<50x4096x128xf32, #tpu.memory_space<hbm>> -> memref<1x128x128xf32, #tpu.memory_space<hbm>>
    %dma_start3A_203 = tpu.memref_squeeze %dma_start3A_202 : memref<1x128x128xf32, #tpu.memory_space<hbm>> -> memref<128x128xf32, #tpu.memory_space<hbm>>
    %dma_start3A_204 = arith.constant 0 : i32
    %dma_start3A_205 = arith.constant 0 : i32
    %dma_start3A_206 = tpu.memref_slice %arg6[%dma_start3A_189, %dma_start3A_204, %dma_start3A_205] : memref<7x128x128xf32, #tpu.memory_space<vmem>> -> memref<1x128x128xf32, #tpu.memory_space<vmem>>
    %dma_start3A_207 = tpu.memref_squeeze %dma_start3A_206 : memref<1x128x128xf32, #tpu.memory_space<vmem>> -> memref<128x128xf32, #tpu.memory_space<vmem>>
    tpu.enqueue_dma source(%dma_start3A_207 : memref<128x128xf32, #tpu.memory_space<vmem>>) target(%dma_start3A_203 : memref<128x128xf32, #tpu.memory_space<hbm>>) target_semaphore(%dma_start3A_200 : memref<!tpu.dma_semaphore, #tpu.memory_space<semaphore_mem>>)
    %scan3A = arith.constant 0 : i32
    %scan3A_208 = arith.constant 3 : i32
    %scan3A_209 = arith.constant 43 : i32
    %scan3A_210 = arith.addi %scan3A_208, %scan3A_209 : i32
    %scan3A_211 = arith.constant 1 : i32
    scf.for %scan3A_482 = %scan3A_208 to %scan3A_210 step %scan3A_211  : i32 {
      %rem3A = arith.constant 7 : i32
      %rem3A_483 = arith.remsi %scan3A_482, %rem3A : i32
      %dma_wait3A_484 = arith.constant 0 : i32
      %dma_wait3A_485 = arith.constant 0 : i32
      %dma_wait3A_486 = tpu.memref_slice %arg6[%rem3A_483, %dma_wait3A_484, %dma_wait3A_485] : memref<7x128x128xf32, #tpu.memory_space<vmem>> -> memref<1x128x128xf32, #tpu.memory_space<vmem>>
      %dma_wait3A_487 = tpu.memref_squeeze %dma_wait3A_486 : memref<1x128x128xf32, #tpu.memory_space<vmem>> -> memref<128x128xf32, #tpu.memory_space<vmem>>
      %dma_wait3A_488 = arith.constant 0 : i32
      %dma_wait3A_489 = tpu.memref_slice %arg5[%scan3A_482, %dma_wait3A_488] : memref<50x128xi32, #tpu.memory_space<vmem>> -> memref<1x128xi32, #tpu.memory_space<vmem>>
      %dma_wait3A_490 = tpu.memref_squeeze %dma_wait3A_489 : memref<1x128xi32, #tpu.memory_space<vmem>> -> memref<128xi32, #tpu.memory_space<vmem>>
      %dma_wait3A_491 = arith.constant 0 : i32
      %dma_wait3A_492 = arith.constant 0 : i32
      %dma_wait3A_493 = tpu.memref_slice %arg3[%dma_wait3A_491, %dma_wait3A_492] : memref<100000x128xf32, #tpu.memory_space<hbm>> -> memref<100000x128xf32, #tpu.memory_space<hbm>>
      %dma_wait3A_494 = tpu.memref_slice %arg7[%rem3A_483] : memref<7x!tpu.dma_semaphore, #tpu.memory_space<semaphore_mem>> -> memref<1x!tpu.dma_semaphore, #tpu.memory_space<semaphore_mem>>
      %dma_wait3A_495 = tpu.memref_squeeze %dma_wait3A_494 : memref<1x!tpu.dma_semaphore, #tpu.memory_space<semaphore_mem>> -> memref<!tpu.dma_semaphore, #tpu.memory_space<semaphore_mem>>
      tpu.wait_indirect_dma semaphore(%dma_wait3A_495 : memref<!tpu.dma_semaphore, #tpu.memory_space<semaphore_mem>>) src(%dma_wait3A_493 : memref<100000x128xf32, #tpu.memory_space<hbm>>) dst(%dma_wait3A_487 : memref<128x128xf32, #tpu.memory_space<vmem>>)
      %rem3A_496 = arith.constant 7 : i32
      %rem3A_497 = arith.remsi %scan3A_482, %rem3A_496 : i32
      %dma_start3A_498 = arith.constant 0 : i32
      %dma_start3A_499 = arith.constant 0 : i32
      %dma_start3A_500 = tpu.memref_slice %arg6[%rem3A_497, %dma_start3A_498, %dma_start3A_499] : memref<7x128x128xf32, #tpu.memory_space<vmem>> -> memref<1x128x128xf32, #tpu.memory_space<vmem>>
      %dma_start3A_501 = tpu.memref_squeeze %dma_start3A_500 : memref<1x128x128xf32, #tpu.memory_space<vmem>> -> memref<128x128xf32, #tpu.memory_space<vmem>>
      %dma_start3A_502 = arith.constant 0 : i32
      %dma_start3A_503 = tpu.memref_slice %arg4[%scan3A_482, %mul3A_2, %dma_start3A_502] : memref<50x4096x128xf32, #tpu.memory_space<hbm>> -> memref<1x128x128xf32, #tpu.memory_space<hbm>>
      %dma_start3A_504 = tpu.memref_squeeze %dma_start3A_503 : memref<1x128x128xf32, #tpu.memory_space<hbm>> -> memref<128x128xf32, #tpu.memory_space<hbm>>
      %dma_start3A_505 = tpu.memref_slice %arg8[%rem3A_497] : memref<7x!tpu.dma_semaphore, #tpu.memory_space<semaphore_mem>> -> memref<1x!tpu.dma_semaphore, #tpu.memory_space<semaphore_mem>>
      %dma_start3A_506 = tpu.memref_squeeze %dma_start3A_505 : memref<1x!tpu.dma_semaphore, #tpu.memory_space<semaphore_mem>> -> memref<!tpu.dma_semaphore, #tpu.memory_space<semaphore_mem>>
      %dma_start3A_507 = arith.constant 0 : i32
      %dma_start3A_508 = tpu.memref_slice %arg4[%scan3A_482, %mul3A_2, %dma_start3A_507] : memref<50x4096x128xf32, #tpu.memory_space<hbm>> -> memref<1x128x128xf32, #tpu.memory_space<hbm>>
      %dma_start3A_509 = tpu.memref_squeeze %dma_start3A_508 : memref<1x128x128xf32, #tpu.memory_space<hbm>> -> memref<128x128xf32, #tpu.memory_space<hbm>>
      %dma_start3A_510 = arith.constant 0 : i32
      %dma_start3A_511 = arith.constant 0 : i32
      %dma_start3A_512 = tpu.memref_slice %arg6[%rem3A_497, %dma_start3A_510, %dma_start3A_511] : memref<7x128x128xf32, #tpu.memory_space<vmem>> -> memref<1x128x128xf32, #tpu.memory_space<vmem>>
      %dma_start3A_513 = tpu.memref_squeeze %dma_start3A_512 : memref<1x128x128xf32, #tpu.memory_space<vmem>> -> memref<128x128xf32, #tpu.memory_space<vmem>>
      tpu.enqueue_dma source(%dma_start3A_513 : memref<128x128xf32, #tpu.memory_space<vmem>>) target(%dma_start3A_509 : memref<128x128xf32, #tpu.memory_space<hbm>>) target_semaphore(%dma_start3A_506 : memref<!tpu.dma_semaphore, #tpu.memory_space<semaphore_mem>>)
      %sub3A = arith.constant 3 : i32
      %sub3A_514 = arith.subi %scan3A_482, %sub3A : i32
      %rem3A_515 = arith.constant 7 : i32
      %rem3A_516 = arith.remsi %sub3A_514, %rem3A_515 : i32
      %dma_wait3A_517 = arith.constant 0 : i32
      %dma_wait3A_518 = arith.constant 0 : i32
      %dma_wait3A_519 = tpu.memref_slice %arg6[%rem3A_516, %dma_wait3A_517, %dma_wait3A_518] : memref<7x128x128xf32, #tpu.memory_space<vmem>> -> memref<1x128x128xf32, #tpu.memory_space<vmem>>
      %dma_wait3A_520 = tpu.memref_squeeze %dma_wait3A_519 : memref<1x128x128xf32, #tpu.memory_space<vmem>> -> memref<128x128xf32, #tpu.memory_space<vmem>>
      %dma_wait3A_521 = arith.constant 0 : i32
      %dma_wait3A_522 = tpu.memref_slice %arg4[%sub3A_514, %mul3A_2, %dma_wait3A_521] : memref<50x4096x128xf32, #tpu.memory_space<hbm>> -> memref<1x128x128xf32, #tpu.memory_space<hbm>>
      %dma_wait3A_523 = tpu.memref_squeeze %dma_wait3A_522 : memref<1x128x128xf32, #tpu.memory_space<hbm>> -> memref<128x128xf32, #tpu.memory_space<hbm>>
      %dma_wait3A_524 = tpu.memref_slice %arg8[%rem3A_516] : memref<7x!tpu.dma_semaphore, #tpu.memory_space<semaphore_mem>> -> memref<1x!tpu.dma_semaphore, #tpu.memory_space<semaphore_mem>>
      %dma_wait3A_525 = tpu.memref_squeeze %dma_wait3A_524 : memref<1x!tpu.dma_semaphore, #tpu.memory_space<semaphore_mem>> -> memref<!tpu.dma_semaphore, #tpu.memory_space<semaphore_mem>>
      %dma_wait3A_526 = arith.constant 0 : i32
      %dma_wait3A_527 = tpu.memref_slice %arg4[%sub3A_514, %mul3A_2, %dma_wait3A_526] : memref<50x4096x128xf32, #tpu.memory_space<hbm>> -> memref<1x128x128xf32, #tpu.memory_space<hbm>>
      %dma_wait3A_528 = tpu.memref_squeeze %dma_wait3A_527 : memref<1x128x128xf32, #tpu.memory_space<hbm>> -> memref<128x128xf32, #tpu.memory_space<hbm>>
      %dma_wait3A_529 = arith.constant 0 : i32
      %dma_wait3A_530 = arith.constant 0 : i32
      %dma_wait3A_531 = tpu.memref_slice %arg6[%rem3A_516, %dma_wait3A_529, %dma_wait3A_530] : memref<7x128x128xf32, #tpu.memory_space<vmem>> -> memref<1x128x128xf32, #tpu.memory_space<vmem>>
      %dma_wait3A_532 = tpu.memref_squeeze %dma_wait3A_531 : memref<1x128x128xf32, #tpu.memory_space<vmem>> -> memref<128x128xf32, #tpu.memory_space<vmem>>
      tpu.wait_dma2 semaphore(%dma_wait3A_525 : memref<!tpu.dma_semaphore, #tpu.memory_space<semaphore_mem>>) src(%dma_wait3A_532 : memref<128x128xf32, #tpu.memory_space<vmem>>) dst(%dma_wait3A_528 : memref<128x128xf32, #tpu.memory_space<hbm>>)
      %add3A_533 = arith.constant 7 : i32
      %add3A_534 = arith.addi %sub3A_514, %add3A_533 : i32
      %rem3A_535 = arith.constant 7 : i32
      %rem3A_536 = arith.remsi %add3A_534, %rem3A_535 : i32
      %dma_start3A_537 = arith.constant 0 : i32
      %dma_start3A_538 = arith.constant 0 : i32
      %dma_start3A_539 = tpu.memref_slice %arg6[%rem3A_536, %dma_start3A_537, %dma_start3A_538] : memref<7x128x128xf32, #tpu.memory_space<vmem>> -> memref<1x128x128xf32, #tpu.memory_space<vmem>>
      %dma_start3A_540 = tpu.memref_squeeze %dma_start3A_539 : memref<1x128x128xf32, #tpu.memory_space<vmem>> -> memref<128x128xf32, #tpu.memory_space<vmem>>
      %dma_start3A_541 = arith.constant 0 : i32
      %dma_start3A_542 = tpu.memref_slice %arg5[%add3A_534, %dma_start3A_541] : memref<50x128xi32, #tpu.memory_space<vmem>> -> memref<1x128xi32, #tpu.memory_space<vmem>>
      %dma_start3A_543 = tpu.memref_squeeze %dma_start3A_542 : memref<1x128xi32, #tpu.memory_space<vmem>> -> memref<128xi32, #tpu.memory_space<vmem>>
      %dma_start3A_544 = arith.constant 0 : i32
      %dma_start3A_545 = arith.constant 0 : i32
      %dma_start3A_546 = tpu.memref_slice %arg3[%dma_start3A_544, %dma_start3A_545] : memref<100000x128xf32, #tpu.memory_space<hbm>> -> memref<100000x128xf32, #tpu.memory_space<hbm>>
      %dma_start3A_547 = tpu.memref_slice %arg7[%rem3A_536] : memref<7x!tpu.dma_semaphore, #tpu.memory_space<semaphore_mem>> -> memref<1x!tpu.dma_semaphore, #tpu.memory_space<semaphore_mem>>
      %dma_start3A_548 = tpu.memref_squeeze %dma_start3A_547 : memref<1x!tpu.dma_semaphore, #tpu.memory_space<semaphore_mem>> -> memref<!tpu.dma_semaphore, #tpu.memory_space<semaphore_mem>>
      tpu.enqueue_indirect_dma source(%dma_start3A_546 : memref<100000x128xf32, #tpu.memory_space<hbm>>) target(%dma_start3A_540 : memref<128x128xf32, #tpu.memory_space<vmem>>) offsets(%dma_start3A_543 : memref<128xi32, #tpu.memory_space<vmem>>) semaphore(%dma_start3A_548 : memref<!tpu.dma_semaphore, #tpu.memory_space<semaphore_mem>>)
    }
    %scan3A_212 = arith.constant 43 : i32
    %dma_wait3A_213 = arith.constant 46 : i32
    %dma_wait3A_214 = arith.constant 4 : i32
    %dma_wait3A_215 = arith.constant 4 : i32
    %dma_wait3A_216 = arith.constant 0 : i32
    %dma_wait3A_217 = arith.constant 0 : i32
    %dma_wait3A_218 = tpu.memref_slice %arg6[%dma_wait3A_214, %dma_wait3A_216, %dma_wait3A_217] : memref<7x128x128xf32, #tpu.memory_space<vmem>> -> memref<1x128x128xf32, #tpu.memory_space<vmem>>
    %dma_wait3A_219 = tpu.memref_squeeze %dma_wait3A_218 : memref<1x128x128xf32, #tpu.memory_space<vmem>> -> memref<128x128xf32, #tpu.memory_space<vmem>>
    %dma_wait3A_220 = arith.constant 0 : i32
    %dma_wait3A_221 = tpu.memref_slice %arg5[%dma_wait3A_213, %dma_wait3A_220] : memref<50x128xi32, #tpu.memory_space<vmem>> -> memref<1x128xi32, #tpu.memory_space<vmem>>
    %dma_wait3A_222 = tpu.memref_squeeze %dma_wait3A_221 : memref<1x128xi32, #tpu.memory_space<vmem>> -> memref<128xi32, #tpu.memory_space<vmem>>
    %dma_wait3A_223 = arith.constant 0 : i32
    %dma_wait3A_224 = arith.constant 0 : i32
    %dma_wait3A_225 = tpu.memref_slice %arg3[%dma_wait3A_223, %dma_wait3A_224] : memref<100000x128xf32, #tpu.memory_space<hbm>> -> memref<100000x128xf32, #tpu.memory_space<hbm>>
    %dma_wait3A_226 = tpu.memref_slice %arg7[%dma_wait3A_215] : memref<7x!tpu.dma_semaphore, #tpu.memory_space<semaphore_mem>> -> memref<1x!tpu.dma_semaphore, #tpu.memory_space<semaphore_mem>>
    %dma_wait3A_227 = tpu.memref_squeeze %dma_wait3A_226 : memref<1x!tpu.dma_semaphore, #tpu.memory_space<semaphore_mem>> -> memref<!tpu.dma_semaphore, #tpu.memory_space<semaphore_mem>>
    tpu.wait_indirect_dma semaphore(%dma_wait3A_227 : memref<!tpu.dma_semaphore, #tpu.memory_space<semaphore_mem>>) src(%dma_wait3A_225 : memref<100000x128xf32, #tpu.memory_space<hbm>>) dst(%dma_wait3A_219 : memref<128x128xf32, #tpu.memory_space<vmem>>)
    %dma_start3A_228 = arith.constant 4 : i32
    %dma_start3A_229 = arith.constant 46 : i32
    %dma_start3A_230 = arith.constant 4 : i32
    %dma_start3A_231 = arith.constant 0 : i32
    %dma_start3A_232 = arith.constant 0 : i32
    %dma_start3A_233 = tpu.memref_slice %arg6[%dma_start3A_228, %dma_start3A_231, %dma_start3A_232] : memref<7x128x128xf32, #tpu.memory_space<vmem>> -> memref<1x128x128xf32, #tpu.memory_space<vmem>>
    %dma_start3A_234 = tpu.memref_squeeze %dma_start3A_233 : memref<1x128x128xf32, #tpu.memory_space<vmem>> -> memref<128x128xf32, #tpu.memory_space<vmem>>
    %dma_start3A_235 = arith.constant 0 : i32
    %dma_start3A_236 = tpu.memref_slice %arg4[%dma_start3A_229, %mul3A_2, %dma_start3A_235] : memref<50x4096x128xf32, #tpu.memory_space<hbm>> -> memref<1x128x128xf32, #tpu.memory_space<hbm>>
    %dma_start3A_237 = tpu.memref_squeeze %dma_start3A_236 : memref<1x128x128xf32, #tpu.memory_space<hbm>> -> memref<128x128xf32, #tpu.memory_space<hbm>>
    %dma_start3A_238 = tpu.memref_slice %arg8[%dma_start3A_230] : memref<7x!tpu.dma_semaphore, #tpu.memory_space<semaphore_mem>> -> memref<1x!tpu.dma_semaphore, #tpu.memory_space<semaphore_mem>>
    %dma_start3A_239 = tpu.memref_squeeze %dma_start3A_238 : memref<1x!tpu.dma_semaphore, #tpu.memory_space<semaphore_mem>> -> memref<!tpu.dma_semaphore, #tpu.memory_space<semaphore_mem>>
    %dma_start3A_240 = arith.constant 0 : i32
    %dma_start3A_241 = tpu.memref_slice %arg4[%dma_start3A_229, %mul3A_2, %dma_start3A_240] : memref<50x4096x128xf32, #tpu.memory_space<hbm>> -> memref<1x128x128xf32, #tpu.memory_space<hbm>>
    %dma_start3A_242 = tpu.memref_squeeze %dma_start3A_241 : memref<1x128x128xf32, #tpu.memory_space<hbm>> -> memref<128x128xf32, #tpu.memory_space<hbm>>
    %dma_start3A_243 = arith.constant 0 : i32
    %dma_start3A_244 = arith.constant 0 : i32
    %dma_start3A_245 = tpu.memref_slice %arg6[%dma_start3A_228, %dma_start3A_243, %dma_start3A_244] : memref<7x128x128xf32, #tpu.memory_space<vmem>> -> memref<1x128x128xf32, #tpu.memory_space<vmem>>
    %dma_start3A_246 = tpu.memref_squeeze %dma_start3A_245 : memref<1x128x128xf32, #tpu.memory_space<vmem>> -> memref<128x128xf32, #tpu.memory_space<vmem>>
    tpu.enqueue_dma source(%dma_start3A_246 : memref<128x128xf32, #tpu.memory_space<vmem>>) target(%dma_start3A_242 : memref<128x128xf32, #tpu.memory_space<hbm>>) target_semaphore(%dma_start3A_239 : memref<!tpu.dma_semaphore, #tpu.memory_space<semaphore_mem>>)
    %dma_wait3A_247 = arith.constant 47 : i32
    %dma_wait3A_248 = arith.constant 5 : i32
    %dma_wait3A_249 = arith.constant 5 : i32
    %dma_wait3A_250 = arith.constant 0 : i32
    %dma_wait3A_251 = arith.constant 0 : i32
    %dma_wait3A_252 = tpu.memref_slice %arg6[%dma_wait3A_248, %dma_wait3A_250, %dma_wait3A_251] : memref<7x128x128xf32, #tpu.memory_space<vmem>> -> memref<1x128x128xf32, #tpu.memory_space<vmem>>
    %dma_wait3A_253 = tpu.memref_squeeze %dma_wait3A_252 : memref<1x128x128xf32, #tpu.memory_space<vmem>> -> memref<128x128xf32, #tpu.memory_space<vmem>>
    %dma_wait3A_254 = arith.constant 0 : i32
    %dma_wait3A_255 = tpu.memref_slice %arg5[%dma_wait3A_247, %dma_wait3A_254] : memref<50x128xi32, #tpu.memory_space<vmem>> -> memref<1x128xi32, #tpu.memory_space<vmem>>
    %dma_wait3A_256 = tpu.memref_squeeze %dma_wait3A_255 : memref<1x128xi32, #tpu.memory_space<vmem>> -> memref<128xi32, #tpu.memory_space<vmem>>
    %dma_wait3A_257 = arith.constant 0 : i32
    %dma_wait3A_258 = arith.constant 0 : i32
    %dma_wait3A_259 = tpu.memref_slice %arg3[%dma_wait3A_257, %dma_wait3A_258] : memref<100000x128xf32, #tpu.memory_space<hbm>> -> memref<100000x128xf32, #tpu.memory_space<hbm>>
    %dma_wait3A_260 = tpu.memref_slice %arg7[%dma_wait3A_249] : memref<7x!tpu.dma_semaphore, #tpu.memory_space<semaphore_mem>> -> memref<1x!tpu.dma_semaphore, #tpu.memory_space<semaphore_mem>>
    %dma_wait3A_261 = tpu.memref_squeeze %dma_wait3A_260 : memref<1x!tpu.dma_semaphore, #tpu.memory_space<semaphore_mem>> -> memref<!tpu.dma_semaphore, #tpu.memory_space<semaphore_mem>>
    tpu.wait_indirect_dma semaphore(%dma_wait3A_261 : memref<!tpu.dma_semaphore, #tpu.memory_space<semaphore_mem>>) src(%dma_wait3A_259 : memref<100000x128xf32, #tpu.memory_space<hbm>>) dst(%dma_wait3A_253 : memref<128x128xf32, #tpu.memory_space<vmem>>)
    %dma_start3A_262 = arith.constant 5 : i32
    %dma_start3A_263 = arith.constant 47 : i32
    %dma_start3A_264 = arith.constant 5 : i32
    %dma_start3A_265 = arith.constant 0 : i32
    %dma_start3A_266 = arith.constant 0 : i32
    %dma_start3A_267 = tpu.memref_slice %arg6[%dma_start3A_262, %dma_start3A_265, %dma_start3A_266] : memref<7x128x128xf32, #tpu.memory_space<vmem>> -> memref<1x128x128xf32, #tpu.memory_space<vmem>>
    %dma_start3A_268 = tpu.memref_squeeze %dma_start3A_267 : memref<1x128x128xf32, #tpu.memory_space<vmem>> -> memref<128x128xf32, #tpu.memory_space<vmem>>
    %dma_start3A_269 = arith.constant 0 : i32
    %dma_start3A_270 = tpu.memref_slice %arg4[%dma_start3A_263, %mul3A_2, %dma_start3A_269] : memref<50x4096x128xf32, #tpu.memory_space<hbm>> -> memref<1x128x128xf32, #tpu.memory_space<hbm>>
    %dma_start3A_271 = tpu.memref_squeeze %dma_start3A_270 : memref<1x128x128xf32, #tpu.memory_space<hbm>> -> memref<128x128xf32, #tpu.memory_space<hbm>>
    %dma_start3A_272 = tpu.memref_slice %arg8[%dma_start3A_264] : memref<7x!tpu.dma_semaphore, #tpu.memory_space<semaphore_mem>> -> memref<1x!tpu.dma_semaphore, #tpu.memory_space<semaphore_mem>>
    %dma_start3A_273 = tpu.memref_squeeze %dma_start3A_272 : memref<1x!tpu.dma_semaphore, #tpu.memory_space<semaphore_mem>> -> memref<!tpu.dma_semaphore, #tpu.memory_space<semaphore_mem>>
    %dma_start3A_274 = arith.constant 0 : i32
    %dma_start3A_275 = tpu.memref_slice %arg4[%dma_start3A_263, %mul3A_2, %dma_start3A_274] : memref<50x4096x128xf32, #tpu.memory_space<hbm>> -> memref<1x128x128xf32, #tpu.memory_space<hbm>>
    %dma_start3A_276 = tpu.memref_squeeze %dma_start3A_275 : memref<1x128x128xf32, #tpu.memory_space<hbm>> -> memref<128x128xf32, #tpu.memory_space<hbm>>
    %dma_start3A_277 = arith.constant 0 : i32
    %dma_start3A_278 = arith.constant 0 : i32
    %dma_start3A_279 = tpu.memref_slice %arg6[%dma_start3A_262, %dma_start3A_277, %dma_start3A_278] : memref<7x128x128xf32, #tpu.memory_space<vmem>> -> memref<1x128x128xf32, #tpu.memory_space<vmem>>
    %dma_start3A_280 = tpu.memref_squeeze %dma_start3A_279 : memref<1x128x128xf32, #tpu.memory_space<vmem>> -> memref<128x128xf32, #tpu.memory_space<vmem>>
    tpu.enqueue_dma source(%dma_start3A_280 : memref<128x128xf32, #tpu.memory_space<vmem>>) target(%dma_start3A_276 : memref<128x128xf32, #tpu.memory_space<hbm>>) target_semaphore(%dma_start3A_273 : memref<!tpu.dma_semaphore, #tpu.memory_space<semaphore_mem>>)
    %dma_wait3A_281 = arith.constant 48 : i32
    %dma_wait3A_282 = arith.constant 6 : i32
    %dma_wait3A_283 = arith.constant 6 : i32
    %dma_wait3A_284 = arith.constant 0 : i32
    %dma_wait3A_285 = arith.constant 0 : i32
    %dma_wait3A_286 = tpu.memref_slice %arg6[%dma_wait3A_282, %dma_wait3A_284, %dma_wait3A_285] : memref<7x128x128xf32, #tpu.memory_space<vmem>> -> memref<1x128x128xf32, #tpu.memory_space<vmem>>
    %dma_wait3A_287 = tpu.memref_squeeze %dma_wait3A_286 : memref<1x128x128xf32, #tpu.memory_space<vmem>> -> memref<128x128xf32, #tpu.memory_space<vmem>>
    %dma_wait3A_288 = arith.constant 0 : i32
    %dma_wait3A_289 = tpu.memref_slice %arg5[%dma_wait3A_281, %dma_wait3A_288] : memref<50x128xi32, #tpu.memory_space<vmem>> -> memref<1x128xi32, #tpu.memory_space<vmem>>
    %dma_wait3A_290 = tpu.memref_squeeze %dma_wait3A_289 : memref<1x128xi32, #tpu.memory_space<vmem>> -> memref<128xi32, #tpu.memory_space<vmem>>
    %dma_wait3A_291 = arith.constant 0 : i32
    %dma_wait3A_292 = arith.constant 0 : i32
    %dma_wait3A_293 = tpu.memref_slice %arg3[%dma_wait3A_291, %dma_wait3A_292] : memref<100000x128xf32, #tpu.memory_space<hbm>> -> memref<100000x128xf32, #tpu.memory_space<hbm>>
    %dma_wait3A_294 = tpu.memref_slice %arg7[%dma_wait3A_283] : memref<7x!tpu.dma_semaphore, #tpu.memory_space<semaphore_mem>> -> memref<1x!tpu.dma_semaphore, #tpu.memory_space<semaphore_mem>>
    %dma_wait3A_295 = tpu.memref_squeeze %dma_wait3A_294 : memref<1x!tpu.dma_semaphore, #tpu.memory_space<semaphore_mem>> -> memref<!tpu.dma_semaphore, #tpu.memory_space<semaphore_mem>>
    tpu.wait_indirect_dma semaphore(%dma_wait3A_295 : memref<!tpu.dma_semaphore, #tpu.memory_space<semaphore_mem>>) src(%dma_wait3A_293 : memref<100000x128xf32, #tpu.memory_space<hbm>>) dst(%dma_wait3A_287 : memref<128x128xf32, #tpu.memory_space<vmem>>)
    %dma_start3A_296 = arith.constant 6 : i32
    %dma_start3A_297 = arith.constant 48 : i32
    %dma_start3A_298 = arith.constant 6 : i32
    %dma_start3A_299 = arith.constant 0 : i32
    %dma_start3A_300 = arith.constant 0 : i32
    %dma_start3A_301 = tpu.memref_slice %arg6[%dma_start3A_296, %dma_start3A_299, %dma_start3A_300] : memref<7x128x128xf32, #tpu.memory_space<vmem>> -> memref<1x128x128xf32, #tpu.memory_space<vmem>>
    %dma_start3A_302 = tpu.memref_squeeze %dma_start3A_301 : memref<1x128x128xf32, #tpu.memory_space<vmem>> -> memref<128x128xf32, #tpu.memory_space<vmem>>
    %dma_start3A_303 = arith.constant 0 : i32
    %dma_start3A_304 = tpu.memref_slice %arg4[%dma_start3A_297, %mul3A_2, %dma_start3A_303] : memref<50x4096x128xf32, #tpu.memory_space<hbm>> -> memref<1x128x128xf32, #tpu.memory_space<hbm>>
    %dma_start3A_305 = tpu.memref_squeeze %dma_start3A_304 : memref<1x128x128xf32, #tpu.memory_space<hbm>> -> memref<128x128xf32, #tpu.memory_space<hbm>>
    %dma_start3A_306 = tpu.memref_slice %arg8[%dma_start3A_298] : memref<7x!tpu.dma_semaphore, #tpu.memory_space<semaphore_mem>> -> memref<1x!tpu.dma_semaphore, #tpu.memory_space<semaphore_mem>>
    %dma_start3A_307 = tpu.memref_squeeze %dma_start3A_306 : memref<1x!tpu.dma_semaphore, #tpu.memory_space<semaphore_mem>> -> memref<!tpu.dma_semaphore, #tpu.memory_space<semaphore_mem>>
    %dma_start3A_308 = arith.constant 0 : i32
    %dma_start3A_309 = tpu.memref_slice %arg4[%dma_start3A_297, %mul3A_2, %dma_start3A_308] : memref<50x4096x128xf32, #tpu.memory_space<hbm>> -> memref<1x128x128xf32, #tpu.memory_space<hbm>>
    %dma_start3A_310 = tpu.memref_squeeze %dma_start3A_309 : memref<1x128x128xf32, #tpu.memory_space<hbm>> -> memref<128x128xf32, #tpu.memory_space<hbm>>
    %dma_start3A_311 = arith.constant 0 : i32
    %dma_start3A_312 = arith.constant 0 : i32
    %dma_start3A_313 = tpu.memref_slice %arg6[%dma_start3A_296, %dma_start3A_311, %dma_start3A_312] : memref<7x128x128xf32, #tpu.memory_space<vmem>> -> memref<1x128x128xf32, #tpu.memory_space<vmem>>
    %dma_start3A_314 = tpu.memref_squeeze %dma_start3A_313 : memref<1x128x128xf32, #tpu.memory_space<vmem>> -> memref<128x128xf32, #tpu.memory_space<vmem>>
    tpu.enqueue_dma source(%dma_start3A_314 : memref<128x128xf32, #tpu.memory_space<vmem>>) target(%dma_start3A_310 : memref<128x128xf32, #tpu.memory_space<hbm>>) target_semaphore(%dma_start3A_307 : memref<!tpu.dma_semaphore, #tpu.memory_space<semaphore_mem>>)
    %dma_wait3A_315 = arith.constant 49 : i32
    %dma_wait3A_316 = arith.constant 0 : i32
    %dma_wait3A_317 = arith.constant 0 : i32
    %dma_wait3A_318 = arith.constant 0 : i32
    %dma_wait3A_319 = arith.constant 0 : i32
    %dma_wait3A_320 = tpu.memref_slice %arg6[%dma_wait3A_316, %dma_wait3A_318, %dma_wait3A_319] : memref<7x128x128xf32, #tpu.memory_space<vmem>> -> memref<1x128x128xf32, #tpu.memory_space<vmem>>
    %dma_wait3A_321 = tpu.memref_squeeze %dma_wait3A_320 : memref<1x128x128xf32, #tpu.memory_space<vmem>> -> memref<128x128xf32, #tpu.memory_space<vmem>>
    %dma_wait3A_322 = arith.constant 0 : i32
    %dma_wait3A_323 = tpu.memref_slice %arg5[%dma_wait3A_315, %dma_wait3A_322] : memref<50x128xi32, #tpu.memory_space<vmem>> -> memref<1x128xi32, #tpu.memory_space<vmem>>
    %dma_wait3A_324 = tpu.memref_squeeze %dma_wait3A_323 : memref<1x128xi32, #tpu.memory_space<vmem>> -> memref<128xi32, #tpu.memory_space<vmem>>
    %dma_wait3A_325 = arith.constant 0 : i32
    %dma_wait3A_326 = arith.constant 0 : i32
    %dma_wait3A_327 = tpu.memref_slice %arg3[%dma_wait3A_325, %dma_wait3A_326] : memref<100000x128xf32, #tpu.memory_space<hbm>> -> memref<100000x128xf32, #tpu.memory_space<hbm>>
    %dma_wait3A_328 = tpu.memref_slice %arg7[%dma_wait3A_317] : memref<7x!tpu.dma_semaphore, #tpu.memory_space<semaphore_mem>> -> memref<1x!tpu.dma_semaphore, #tpu.memory_space<semaphore_mem>>
    %dma_wait3A_329 = tpu.memref_squeeze %dma_wait3A_328 : memref<1x!tpu.dma_semaphore, #tpu.memory_space<semaphore_mem>> -> memref<!tpu.dma_semaphore, #tpu.memory_space<semaphore_mem>>
    tpu.wait_indirect_dma semaphore(%dma_wait3A_329 : memref<!tpu.dma_semaphore, #tpu.memory_space<semaphore_mem>>) src(%dma_wait3A_327 : memref<100000x128xf32, #tpu.memory_space<hbm>>) dst(%dma_wait3A_321 : memref<128x128xf32, #tpu.memory_space<vmem>>)
    %dma_start3A_330 = arith.constant 0 : i32
    %dma_start3A_331 = arith.constant 49 : i32
    %dma_start3A_332 = arith.constant 0 : i32
    %dma_start3A_333 = arith.constant 0 : i32
    %dma_start3A_334 = arith.constant 0 : i32
    %dma_start3A_335 = tpu.memref_slice %arg6[%dma_start3A_330, %dma_start3A_333, %dma_start3A_334] : memref<7x128x128xf32, #tpu.memory_space<vmem>> -> memref<1x128x128xf32, #tpu.memory_space<vmem>>
    %dma_start3A_336 = tpu.memref_squeeze %dma_start3A_335 : memref<1x128x128xf32, #tpu.memory_space<vmem>> -> memref<128x128xf32, #tpu.memory_space<vmem>>
    %dma_start3A_337 = arith.constant 0 : i32
    %dma_start3A_338 = tpu.memref_slice %arg4[%dma_start3A_331, %mul3A_2, %dma_start3A_337] : memref<50x4096x128xf32, #tpu.memory_space<hbm>> -> memref<1x128x128xf32, #tpu.memory_space<hbm>>
    %dma_start3A_339 = tpu.memref_squeeze %dma_start3A_338 : memref<1x128x128xf32, #tpu.memory_space<hbm>> -> memref<128x128xf32, #tpu.memory_space<hbm>>
    %dma_start3A_340 = tpu.memref_slice %arg8[%dma_start3A_332] : memref<7x!tpu.dma_semaphore, #tpu.memory_space<semaphore_mem>> -> memref<1x!tpu.dma_semaphore, #tpu.memory_space<semaphore_mem>>
    %dma_start3A_341 = tpu.memref_squeeze %dma_start3A_340 : memref<1x!tpu.dma_semaphore, #tpu.memory_space<semaphore_mem>> -> memref<!tpu.dma_semaphore, #tpu.memory_space<semaphore_mem>>
    %dma_start3A_342 = arith.constant 0 : i32
    %dma_start3A_343 = tpu.memref_slice %arg4[%dma_start3A_331, %mul3A_2, %dma_start3A_342] : memref<50x4096x128xf32, #tpu.memory_space<hbm>> -> memref<1x128x128xf32, #tpu.memory_space<hbm>>
    %dma_start3A_344 = tpu.memref_squeeze %dma_start3A_343 : memref<1x128x128xf32, #tpu.memory_space<hbm>> -> memref<128x128xf32, #tpu.memory_space<hbm>>
    %dma_start3A_345 = arith.constant 0 : i32
    %dma_start3A_346 = arith.constant 0 : i32
    %dma_start3A_347 = tpu.memref_slice %arg6[%dma_start3A_330, %dma_start3A_345, %dma_start3A_346] : memref<7x128x128xf32, #tpu.memory_space<vmem>> -> memref<1x128x128xf32, #tpu.memory_space<vmem>>
    %dma_start3A_348 = tpu.memref_squeeze %dma_start3A_347 : memref<1x128x128xf32, #tpu.memory_space<vmem>> -> memref<128x128xf32, #tpu.memory_space<vmem>>
    tpu.enqueue_dma source(%dma_start3A_348 : memref<128x128xf32, #tpu.memory_space<vmem>>) target(%dma_start3A_344 : memref<128x128xf32, #tpu.memory_space<hbm>>) target_semaphore(%dma_start3A_341 : memref<!tpu.dma_semaphore, #tpu.memory_space<semaphore_mem>>)
    %dma_wait3A_349 = arith.constant 1 : i32
    %dma_wait3A_350 = arith.constant 43 : i32
    %dma_wait3A_351 = arith.constant 1 : i32
    %dma_wait3A_352 = arith.constant 0 : i32
    %dma_wait3A_353 = arith.constant 0 : i32
    %dma_wait3A_354 = tpu.memref_slice %arg6[%dma_wait3A_349, %dma_wait3A_352, %dma_wait3A_353] : memref<7x128x128xf32, #tpu.memory_space<vmem>> -> memref<1x128x128xf32, #tpu.memory_space<vmem>>
    %dma_wait3A_355 = tpu.memref_squeeze %dma_wait3A_354 : memref<1x128x128xf32, #tpu.memory_space<vmem>> -> memref<128x128xf32, #tpu.memory_space<vmem>>
    %dma_wait3A_356 = arith.constant 0 : i32
    %dma_wait3A_357 = tpu.memref_slice %arg4[%dma_wait3A_350, %mul3A_2, %dma_wait3A_356] : memref<50x4096x128xf32, #tpu.memory_space<hbm>> -> memref<1x128x128xf32, #tpu.memory_space<hbm>>
    %dma_wait3A_358 = tpu.memref_squeeze %dma_wait3A_357 : memref<1x128x128xf32, #tpu.memory_space<hbm>> -> memref<128x128xf32, #tpu.memory_space<hbm>>
    %dma_wait3A_359 = tpu.memref_slice %arg8[%dma_wait3A_351] : memref<7x!tpu.dma_semaphore, #tpu.memory_space<semaphore_mem>> -> memref<1x!tpu.dma_semaphore, #tpu.memory_space<semaphore_mem>>
    %dma_wait3A_360 = tpu.memref_squeeze %dma_wait3A_359 : memref<1x!tpu.dma_semaphore, #tpu.memory_space<semaphore_mem>> -> memref<!tpu.dma_semaphore, #tpu.memory_space<semaphore_mem>>
    %dma_wait3A_361 = arith.constant 0 : i32
    %dma_wait3A_362 = tpu.memref_slice %arg4[%dma_wait3A_350, %mul3A_2, %dma_wait3A_361] : memref<50x4096x128xf32, #tpu.memory_space<hbm>> -> memref<1x128x128xf32, #tpu.memory_space<hbm>>
    %dma_wait3A_363 = tpu.memref_squeeze %dma_wait3A_362 : memref<1x128x128xf32, #tpu.memory_space<hbm>> -> memref<128x128xf32, #tpu.memory_space<hbm>>
    %dma_wait3A_364 = arith.constant 0 : i32
    %dma_wait3A_365 = arith.constant 0 : i32
    %dma_wait3A_366 = tpu.memref_slice %arg6[%dma_wait3A_349, %dma_wait3A_364, %dma_wait3A_365] : memref<7x128x128xf32, #tpu.memory_space<vmem>> -> memref<1x128x128xf32, #tpu.memory_space<vmem>>
    %dma_wait3A_367 = tpu.memref_squeeze %dma_wait3A_366 : memref<1x128x128xf32, #tpu.memory_space<vmem>> -> memref<128x128xf32, #tpu.memory_space<vmem>>
    tpu.wait_dma2 semaphore(%dma_wait3A_360 : memref<!tpu.dma_semaphore, #tpu.memory_space<semaphore_mem>>) src(%dma_wait3A_367 : memref<128x128xf32, #tpu.memory_space<vmem>>) dst(%dma_wait3A_363 : memref<128x128xf32, #tpu.memory_space<hbm>>)
    %dma_wait3A_368 = arith.constant 2 : i32
    %dma_wait3A_369 = arith.constant 44 : i32
    %dma_wait3A_370 = arith.constant 2 : i32
    %dma_wait3A_371 = arith.constant 0 : i32
    %dma_wait3A_372 = arith.constant 0 : i32
    %dma_wait3A_373 = tpu.memref_slice %arg6[%dma_wait3A_368, %dma_wait3A_371, %dma_wait3A_372] : memref<7x128x128xf32, #tpu.memory_space<vmem>> -> memref<1x128x128xf32, #tpu.memory_space<vmem>>
    %dma_wait3A_374 = tpu.memref_squeeze %dma_wait3A_373 : memref<1x128x128xf32, #tpu.memory_space<vmem>> -> memref<128x128xf32, #tpu.memory_space<vmem>>
    %dma_wait3A_375 = arith.constant 0 : i32
    %dma_wait3A_376 = tpu.memref_slice %arg4[%dma_wait3A_369, %mul3A_2, %dma_wait3A_375] : memref<50x4096x128xf32, #tpu.memory_space<hbm>> -> memref<1x128x128xf32, #tpu.memory_space<hbm>>
    %dma_wait3A_377 = tpu.memref_squeeze %dma_wait3A_376 : memref<1x128x128xf32, #tpu.memory_space<hbm>> -> memref<128x128xf32, #tpu.memory_space<hbm>>
    %dma_wait3A_378 = tpu.memref_slice %arg8[%dma_wait3A_370] : memref<7x!tpu.dma_semaphore, #tpu.memory_space<semaphore_mem>> -> memref<1x!tpu.dma_semaphore, #tpu.memory_space<semaphore_mem>>
    %dma_wait3A_379 = tpu.memref_squeeze %dma_wait3A_378 : memref<1x!tpu.dma_semaphore, #tpu.memory_space<semaphore_mem>> -> memref<!tpu.dma_semaphore, #tpu.memory_space<semaphore_mem>>
    %dma_wait3A_380 = arith.constant 0 : i32
    %dma_wait3A_381 = tpu.memref_slice %arg4[%dma_wait3A_369, %mul3A_2, %dma_wait3A_380] : memref<50x4096x128xf32, #tpu.memory_space<hbm>> -> memref<1x128x128xf32, #tpu.memory_space<hbm>>
    %dma_wait3A_382 = tpu.memref_squeeze %dma_wait3A_381 : memref<1x128x128xf32, #tpu.memory_space<hbm>> -> memref<128x128xf32, #tpu.memory_space<hbm>>
    %dma_wait3A_383 = arith.constant 0 : i32
    %dma_wait3A_384 = arith.constant 0 : i32
    %dma_wait3A_385 = tpu.memref_slice %arg6[%dma_wait3A_368, %dma_wait3A_383, %dma_wait3A_384] : memref<7x128x128xf32, #tpu.memory_space<vmem>> -> memref<1x128x128xf32, #tpu.memory_space<vmem>>
    %dma_wait3A_386 = tpu.memref_squeeze %dma_wait3A_385 : memref<1x128x128xf32, #tpu.memory_space<vmem>> -> memref<128x128xf32, #tpu.memory_space<vmem>>
    tpu.wait_dma2 semaphore(%dma_wait3A_379 : memref<!tpu.dma_semaphore, #tpu.memory_space<semaphore_mem>>) src(%dma_wait3A_386 : memref<128x128xf32, #tpu.memory_space<vmem>>) dst(%dma_wait3A_382 : memref<128x128xf32, #tpu.memory_space<hbm>>)
    %dma_wait3A_387 = arith.constant 3 : i32
    %dma_wait3A_388 = arith.constant 45 : i32
    %dma_wait3A_389 = arith.constant 3 : i32
    %dma_wait3A_390 = arith.constant 0 : i32
    %dma_wait3A_391 = arith.constant 0 : i32
    %dma_wait3A_392 = tpu.memref_slice %arg6[%dma_wait3A_387, %dma_wait3A_390, %dma_wait3A_391] : memref<7x128x128xf32, #tpu.memory_space<vmem>> -> memref<1x128x128xf32, #tpu.memory_space<vmem>>
    %dma_wait3A_393 = tpu.memref_squeeze %dma_wait3A_392 : memref<1x128x128xf32, #tpu.memory_space<vmem>> -> memref<128x128xf32, #tpu.memory_space<vmem>>
    %dma_wait3A_394 = arith.constant 0 : i32
    %dma_wait3A_395 = tpu.memref_slice %arg4[%dma_wait3A_388, %mul3A_2, %dma_wait3A_394] : memref<50x4096x128xf32, #tpu.memory_space<hbm>> -> memref<1x128x128xf32, #tpu.memory_space<hbm>>
    %dma_wait3A_396 = tpu.memref_squeeze %dma_wait3A_395 : memref<1x128x128xf32, #tpu.memory_space<hbm>> -> memref<128x128xf32, #tpu.memory_space<hbm>>
    %dma_wait3A_397 = tpu.memref_slice %arg8[%dma_wait3A_389] : memref<7x!tpu.dma_semaphore, #tpu.memory_space<semaphore_mem>> -> memref<1x!tpu.dma_semaphore, #tpu.memory_space<semaphore_mem>>
    %dma_wait3A_398 = tpu.memref_squeeze %dma_wait3A_397 : memref<1x!tpu.dma_semaphore, #tpu.memory_space<semaphore_mem>> -> memref<!tpu.dma_semaphore, #tpu.memory_space<semaphore_mem>>
    %dma_wait3A_399 = arith.constant 0 : i32
    %dma_wait3A_400 = tpu.memref_slice %arg4[%dma_wait3A_388, %mul3A_2, %dma_wait3A_399] : memref<50x4096x128xf32, #tpu.memory_space<hbm>> -> memref<1x128x128xf32, #tpu.memory_space<hbm>>
    %dma_wait3A_401 = tpu.memref_squeeze %dma_wait3A_400 : memref<1x128x128xf32, #tpu.memory_space<hbm>> -> memref<128x128xf32, #tpu.memory_space<hbm>>
    %dma_wait3A_402 = arith.constant 0 : i32
    %dma_wait3A_403 = arith.constant 0 : i32
    %dma_wait3A_404 = tpu.memref_slice %arg6[%dma_wait3A_387, %dma_wait3A_402, %dma_wait3A_403] : memref<7x128x128xf32, #tpu.memory_space<vmem>> -> memref<1x128x128xf32, #tpu.memory_space<vmem>>
    %dma_wait3A_405 = tpu.memref_squeeze %dma_wait3A_404 : memref<1x128x128xf32, #tpu.memory_space<vmem>> -> memref<128x128xf32, #tpu.memory_space<vmem>>
    tpu.wait_dma2 semaphore(%dma_wait3A_398 : memref<!tpu.dma_semaphore, #tpu.memory_space<semaphore_mem>>) src(%dma_wait3A_405 : memref<128x128xf32, #tpu.memory_space<vmem>>) dst(%dma_wait3A_401 : memref<128x128xf32, #tpu.memory_space<hbm>>)
    %dma_wait3A_406 = arith.constant 4 : i32
    %dma_wait3A_407 = arith.constant 46 : i32
    %dma_wait3A_408 = arith.constant 4 : i32
    %dma_wait3A_409 = arith.constant 0 : i32
    %dma_wait3A_410 = arith.constant 0 : i32
    %dma_wait3A_411 = tpu.memref_slice %arg6[%dma_wait3A_406, %dma_wait3A_409, %dma_wait3A_410] : memref<7x128x128xf32, #tpu.memory_space<vmem>> -> memref<1x128x128xf32, #tpu.memory_space<vmem>>
    %dma_wait3A_412 = tpu.memref_squeeze %dma_wait3A_411 : memref<1x128x128xf32, #tpu.memory_space<vmem>> -> memref<128x128xf32, #tpu.memory_space<vmem>>
    %dma_wait3A_413 = arith.constant 0 : i32
    %dma_wait3A_414 = tpu.memref_slice %arg4[%dma_wait3A_407, %mul3A_2, %dma_wait3A_413] : memref<50x4096x128xf32, #tpu.memory_space<hbm>> -> memref<1x128x128xf32, #tpu.memory_space<hbm>>
    %dma_wait3A_415 = tpu.memref_squeeze %dma_wait3A_414 : memref<1x128x128xf32, #tpu.memory_space<hbm>> -> memref<128x128xf32, #tpu.memory_space<hbm>>
    %dma_wait3A_416 = tpu.memref_slice %arg8[%dma_wait3A_408] : memref<7x!tpu.dma_semaphore, #tpu.memory_space<semaphore_mem>> -> memref<1x!tpu.dma_semaphore, #tpu.memory_space<semaphore_mem>>
    %dma_wait3A_417 = tpu.memref_squeeze %dma_wait3A_416 : memref<1x!tpu.dma_semaphore, #tpu.memory_space<semaphore_mem>> -> memref<!tpu.dma_semaphore, #tpu.memory_space<semaphore_mem>>
    %dma_wait3A_418 = arith.constant 0 : i32
    %dma_wait3A_419 = tpu.memref_slice %arg4[%dma_wait3A_407, %mul3A_2, %dma_wait3A_418] : memref<50x4096x128xf32, #tpu.memory_space<hbm>> -> memref<1x128x128xf32, #tpu.memory_space<hbm>>
    %dma_wait3A_420 = tpu.memref_squeeze %dma_wait3A_419 : memref<1x128x128xf32, #tpu.memory_space<hbm>> -> memref<128x128xf32, #tpu.memory_space<hbm>>
    %dma_wait3A_421 = arith.constant 0 : i32
    %dma_wait3A_422 = arith.constant 0 : i32
    %dma_wait3A_423 = tpu.memref_slice %arg6[%dma_wait3A_406, %dma_wait3A_421, %dma_wait3A_422] : memref<7x128x128xf32, #tpu.memory_space<vmem>> -> memref<1x128x128xf32, #tpu.memory_space<vmem>>
    %dma_wait3A_424 = tpu.memref_squeeze %dma_wait3A_423 : memref<1x128x128xf32, #tpu.memory_space<vmem>> -> memref<128x128xf32, #tpu.memory_space<vmem>>
    tpu.wait_dma2 semaphore(%dma_wait3A_417 : memref<!tpu.dma_semaphore, #tpu.memory_space<semaphore_mem>>) src(%dma_wait3A_424 : memref<128x128xf32, #tpu.memory_space<vmem>>) dst(%dma_wait3A_420 : memref<128x128xf32, #tpu.memory_space<hbm>>)
    %dma_wait3A_425 = arith.constant 5 : i32
    %dma_wait3A_426 = arith.constant 47 : i32
    %dma_wait3A_427 = arith.constant 5 : i32
    %dma_wait3A_428 = arith.constant 0 : i32
    %dma_wait3A_429 = arith.constant 0 : i32
    %dma_wait3A_430 = tpu.memref_slice %arg6[%dma_wait3A_425, %dma_wait3A_428, %dma_wait3A_429] : memref<7x128x128xf32, #tpu.memory_space<vmem>> -> memref<1x128x128xf32, #tpu.memory_space<vmem>>
    %dma_wait3A_431 = tpu.memref_squeeze %dma_wait3A_430 : memref<1x128x128xf32, #tpu.memory_space<vmem>> -> memref<128x128xf32, #tpu.memory_space<vmem>>
    %dma_wait3A_432 = arith.constant 0 : i32
    %dma_wait3A_433 = tpu.memref_slice %arg4[%dma_wait3A_426, %mul3A_2, %dma_wait3A_432] : memref<50x4096x128xf32, #tpu.memory_space<hbm>> -> memref<1x128x128xf32, #tpu.memory_space<hbm>>
    %dma_wait3A_434 = tpu.memref_squeeze %dma_wait3A_433 : memref<1x128x128xf32, #tpu.memory_space<hbm>> -> memref<128x128xf32, #tpu.memory_space<hbm>>
    %dma_wait3A_435 = tpu.memref_slice %arg8[%dma_wait3A_427] : memref<7x!tpu.dma_semaphore, #tpu.memory_space<semaphore_mem>> -> memref<1x!tpu.dma_semaphore, #tpu.memory_space<semaphore_mem>>
    %dma_wait3A_436 = tpu.memref_squeeze %dma_wait3A_435 : memref<1x!tpu.dma_semaphore, #tpu.memory_space<semaphore_mem>> -> memref<!tpu.dma_semaphore, #tpu.memory_space<semaphore_mem>>
    %dma_wait3A_437 = arith.constant 0 : i32
    %dma_wait3A_438 = tpu.memref_slice %arg4[%dma_wait3A_426, %mul3A_2, %dma_wait3A_437] : memref<50x4096x128xf32, #tpu.memory_space<hbm>> -> memref<1x128x128xf32, #tpu.memory_space<hbm>>
    %dma_wait3A_439 = tpu.memref_squeeze %dma_wait3A_438 : memref<1x128x128xf32, #tpu.memory_space<hbm>> -> memref<128x128xf32, #tpu.memory_space<hbm>>
    %dma_wait3A_440 = arith.constant 0 : i32
    %dma_wait3A_441 = arith.constant 0 : i32
    %dma_wait3A_442 = tpu.memref_slice %arg6[%dma_wait3A_425, %dma_wait3A_440, %dma_wait3A_441] : memref<7x128x128xf32, #tpu.memory_space<vmem>> -> memref<1x128x128xf32, #tpu.memory_space<vmem>>
    %dma_wait3A_443 = tpu.memref_squeeze %dma_wait3A_442 : memref<1x128x128xf32, #tpu.memory_space<vmem>> -> memref<128x128xf32, #tpu.memory_space<vmem>>
    tpu.wait_dma2 semaphore(%dma_wait3A_436 : memref<!tpu.dma_semaphore, #tpu.memory_space<semaphore_mem>>) src(%dma_wait3A_443 : memref<128x128xf32, #tpu.memory_space<vmem>>) dst(%dma_wait3A_439 : memref<128x128xf32, #tpu.memory_space<hbm>>)
    %dma_wait3A_444 = arith.constant 6 : i32
    %dma_wait3A_445 = arith.constant 48 : i32
    %dma_wait3A_446 = arith.constant 6 : i32
    %dma_wait3A_447 = arith.constant 0 : i32
    %dma_wait3A_448 = arith.constant 0 : i32
    %dma_wait3A_449 = tpu.memref_slice %arg6[%dma_wait3A_444, %dma_wait3A_447, %dma_wait3A_448] : memref<7x128x128xf32, #tpu.memory_space<vmem>> -> memref<1x128x128xf32, #tpu.memory_space<vmem>>
    %dma_wait3A_450 = tpu.memref_squeeze %dma_wait3A_449 : memref<1x128x128xf32, #tpu.memory_space<vmem>> -> memref<128x128xf32, #tpu.memory_space<vmem>>
    %dma_wait3A_451 = arith.constant 0 : i32
    %dma_wait3A_452 = tpu.memref_slice %arg4[%dma_wait3A_445, %mul3A_2, %dma_wait3A_451] : memref<50x4096x128xf32, #tpu.memory_space<hbm>> -> memref<1x128x128xf32, #tpu.memory_space<hbm>>
    %dma_wait3A_453 = tpu.memref_squeeze %dma_wait3A_452 : memref<1x128x128xf32, #tpu.memory_space<hbm>> -> memref<128x128xf32, #tpu.memory_space<hbm>>
    %dma_wait3A_454 = tpu.memref_slice %arg8[%dma_wait3A_446] : memref<7x!tpu.dma_semaphore, #tpu.memory_space<semaphore_mem>> -> memref<1x!tpu.dma_semaphore, #tpu.memory_space<semaphore_mem>>
    %dma_wait3A_455 = tpu.memref_squeeze %dma_wait3A_454 : memref<1x!tpu.dma_semaphore, #tpu.memory_space<semaphore_mem>> -> memref<!tpu.dma_semaphore, #tpu.memory_space<semaphore_mem>>
    %dma_wait3A_456 = arith.constant 0 : i32
    %dma_wait3A_457 = tpu.memref_slice %arg4[%dma_wait3A_445, %mul3A_2, %dma_wait3A_456] : memref<50x4096x128xf32, #tpu.memory_space<hbm>> -> memref<1x128x128xf32, #tpu.memory_space<hbm>>
    %dma_wait3A_458 = tpu.memref_squeeze %dma_wait3A_457 : memref<1x128x128xf32, #tpu.memory_space<hbm>> -> memref<128x128xf32, #tpu.memory_space<hbm>>
    %dma_wait3A_459 = arith.constant 0 : i32
    %dma_wait3A_460 = arith.constant 0 : i32
    %dma_wait3A_461 = tpu.memref_slice %arg6[%dma_wait3A_444, %dma_wait3A_459, %dma_wait3A_460] : memref<7x128x128xf32, #tpu.memory_space<vmem>> -> memref<1x128x128xf32, #tpu.memory_space<vmem>>
    %dma_wait3A_462 = tpu.memref_squeeze %dma_wait3A_461 : memref<1x128x128xf32, #tpu.memory_space<vmem>> -> memref<128x128xf32, #tpu.memory_space<vmem>>
    tpu.wait_dma2 semaphore(%dma_wait3A_455 : memref<!tpu.dma_semaphore, #tpu.memory_space<semaphore_mem>>) src(%dma_wait3A_462 : memref<128x128xf32, #tpu.memory_space<vmem>>) dst(%dma_wait3A_458 : memref<128x128xf32, #tpu.memory_space<hbm>>)
    %dma_wait3A_463 = arith.constant 0 : i32
    %dma_wait3A_464 = arith.constant 49 : i32
    %dma_wait3A_465 = arith.constant 0 : i32
    %dma_wait3A_466 = arith.constant 0 : i32
    %dma_wait3A_467 = arith.constant 0 : i32
    %dma_wait3A_468 = tpu.memref_slice %arg6[%dma_wait3A_463, %dma_wait3A_466, %dma_wait3A_467] : memref<7x128x128xf32, #tpu.memory_space<vmem>> -> memref<1x128x128xf32, #tpu.memory_space<vmem>>
    %dma_wait3A_469 = tpu.memref_squeeze %dma_wait3A_468 : memref<1x128x128xf32, #tpu.memory_space<vmem>> -> memref<128x128xf32, #tpu.memory_space<vmem>>
    %dma_wait3A_470 = arith.constant 0 : i32
    %dma_wait3A_471 = tpu.memref_slice %arg4[%dma_wait3A_464, %mul3A_2, %dma_wait3A_470] : memref<50x4096x128xf32, #tpu.memory_space<hbm>> -> memref<1x128x128xf32, #tpu.memory_space<hbm>>
    %dma_wait3A_472 = tpu.memref_squeeze %dma_wait3A_471 : memref<1x128x128xf32, #tpu.memory_space<hbm>> -> memref<128x128xf32, #tpu.memory_space<hbm>>
    %dma_wait3A_473 = tpu.memref_slice %arg8[%dma_wait3A_465] : memref<7x!tpu.dma_semaphore, #tpu.memory_space<semaphore_mem>> -> memref<1x!tpu.dma_semaphore, #tpu.memory_space<semaphore_mem>>
    %dma_wait3A_474 = tpu.memref_squeeze %dma_wait3A_473 : memref<1x!tpu.dma_semaphore, #tpu.memory_space<semaphore_mem>> -> memref<!tpu.dma_semaphore, #tpu.memory_space<semaphore_mem>>
    %dma_wait3A_475 = arith.constant 0 : i32
    %dma_wait3A_476 = tpu.memref_slice %arg4[%dma_wait3A_464, %mul3A_2, %dma_wait3A_475] : memref<50x4096x128xf32, #tpu.memory_space<hbm>> -> memref<1x128x128xf32, #tpu.memory_space<hbm>>
    %dma_wait3A_477 = tpu.memref_squeeze %dma_wait3A_476 : memref<1x128x128xf32, #tpu.memory_space<hbm>> -> memref<128x128xf32, #tpu.memory_space<hbm>>
    %dma_wait3A_478 = arith.constant 0 : i32
    %dma_wait3A_479 = arith.constant 0 : i32
    %dma_wait3A_480 = tpu.memref_slice %arg6[%dma_wait3A_463, %dma_wait3A_478, %dma_wait3A_479] : memref<7x128x128xf32, #tpu.memory_space<vmem>> -> memref<1x128x128xf32, #tpu.memory_space<vmem>>
    %dma_wait3A_481 = tpu.memref_squeeze %dma_wait3A_480 : memref<1x128x128xf32, #tpu.memory_space<vmem>> -> memref<128x128xf32, #tpu.memory_space<vmem>>
    tpu.wait_dma2 semaphore(%dma_wait3A_474 : memref<!tpu.dma_semaphore, #tpu.memory_space<semaphore_mem>>) src(%dma_wait3A_481 : memref<128x128xf32, #tpu.memory_space<vmem>>) dst(%dma_wait3A_477 : memref<128x128xf32, #tpu.memory_space<hbm>>)
    return
  }
}

</mosaic_0001>

<sc_bundles>
// kernel: kernel.3.cloned.1.call-start
scs
__scs_entry_jumppad:
0x0: {  	(pc) =	sbr.rel $0x88, $3  }
0x1: {  	(tag) =	ssettag $0x0;
	lr =	simm.s32 $0x1  }
0x2: {  	[smem:$0x3F9F] =	sst lr;
	_ =	strace $0xD0000000  }
0x3: {  	_ = 	snop  }
0x4: {  	_ = 	snop  }
0x5: {  	_ = 	snop  }
0x6: {  	_ = 	snop  }
0x7: {  	_ = 	snop  }
__scs_overlays_trampoline_lowered:
0x8: {  	[smem:$0x3FAE] =	sst s0  }
0x9: {  	[smem:$0x3FAF] =	sst s1  }
0xa: {  	[smem:$0x3FB0] =	sst s2  }
0xb: {  	[smem:$0x3FB1] =	sst s3  }
0xc: {  	[smem:$0x3FB2] =	sst s4  }
0xd: {  	[smem:$0x3FB3] =	sst s5  }
0xe: {  	[smem:$0x3FB4] =	sst s6  }
0xf: {  	[smem:$0x3FB5] =	sst s7  }
0x10: {  	[smem:$0x3FB6] =	sst s8  }
0x11: {  	[smem:$0x3FB7] =	sst s9;
	s0 =	simm.s32 @!p0 $0x0  }
0x12: {  	s1 =	sld [smem:$0x3F9D];
	s0 =	simm.s32 @p0 $0x1  }
0x13: {  	[smem:$0x3FB8] =	sst s0;
	s0 =	simm.s32 @!p1 $0x0  }
0x14: {  	s2 =	sld [smem:$0x3F9C];
	s0 =	simm.s32 @p1 $0x1  }
0x15: {  	[smem:$0x3FB9] =	sst s0;
	s0 =	simm.s32 @!p2 $0x0  }
0x16: {  	s3 =	sld [smem:$0x3FDB];
	s0 =	simm.s32 @p2 $0x1  }
0x17: {  	s4 =	simm.s32 $0x1BF5;
	[smem:$0x3FBB] =	sst s0  }
0x18: {  	s0 =	sld [smem:$0x3F9E];
	_ =	swait.ge [sflag:s4], $0x0  }
0x19: {  	s7 =	sld [smem:$0x3F9F]  }
0x1a: {  	s8 =	sadd.s32 $0xFFFFE003, lr  }
0x1b: {  	s9 =	sadd.s32 $0xFFFFFEF7, lr;
	s5 =	simm.s32 $0xFFFFFFFF;
	p2 =	slt.u32 s8, $0xFFFFF086  }
0x1c: {  	p1 =	slt.u32 s9, $0xF7A;
	s5 =	simm.s32 @!p2 $0x0  }
0x1d: {  	s5 =	simm.s32 @p1 $0x1;
	p0 =	seq.s32 s7, s2  }
0x1e: {  	s7 =	smul.u32 @!p0 $0xF7A, s2;
	p2 =	seq.s32 @!p0 s5, $0x0  }
0x1f: {  	s9 =	smul.u32 $0xF7A, s1;
	s8 =	simm.s32 @!p0 $0x1BF5;
	p2 =	por !p2, p0  }
0x20: {  	[sflag:s8] =	ssyncset.s32 @!p0 $0xFFFFF086;
	s6 =	sadd.s32 @!p0 s3, s7;
	s7 =	simm.s32 @!p0 $0x108  }
0x21: {  	s3 =	sadd.s32 s3, s9;
	s6 =	sadd.s32 @!p0 $0x88, s6;
	s7 =	simm.s32 @p2 $0x1082  }
0x22: {  	[simem:s7], [sflag:s8] =	dma.local @!p0 [hbm:s6], $0xF7A  }
0x23: {  	s9 =	sor.u32 $0xD0000000, s2;
	s6 =	simm.s32 $0x108;
	_ =	swait.ge @!p0 [sflag:s8], $0x0  }
0x24: {  	s3 =	sadd.s32 $0x88, s3;
	s6 =	simm.s32 @!p1 $0x1082;
	[sflag:s4] =	ssyncset.s32 $0xFFFFF086  }
0x25: {  	[simem:s6], [sflag:s4] =	dma.local [hbm:s3], $0xF7A  }
0x26: {  	[smem:$0x3F9F] =	sst s1;
	(tag) =	ssettag s2;
	_ =	strace s9  }
0x27: {  	s1 =	sld [smem:$0x3FAF]  }
0x28: {  	s2 =	sld [smem:$0x3FB0]  }
0x29: {  	s4 =	sld [smem:$0x3FB2]  }
0x2a: {  	p0 =	seq.s32 s5, $0x0;
	s5 =	sld [smem:$0x3FB3]  }
0x2b: {  	s6 =	sld [smem:$0x3FB4]  }
0x2c: {  	s7 =	sld [smem:$0x3FB5]  }
0x2d: {  	s3 =	simm.s32 $0x108;
	s8 =	sld [smem:$0x3FB6]  }
0x2e: {  	s3 =	simm.s32 @!p0 $0x1082;
	s9 =	sld [smem:$0x3FB7]  }
0x2f: {  	lr =	sadd.s32 s0, s3;
	s0 =	sld [smem:$0x3FAE]  }
0x30: {  	s3 =	sld [smem:$0x3FB1]  }
0x31: {  	[smem:$0x3FBA] =	sst s10  }
0x32: {  	s10 =	sld [smem:$0x3FB8];
	_ =	sdelay $0x3  }
0x33: {  	p0 =	seq.s32 s10, $0x1;
	s10 =	sld [smem:$0x3FBA];
	_ =	sdelay $0x3  }
0x34: {  	[smem:$0x3FBA] =	sst s10  }
0x35: {  	s10 =	sld [smem:$0x3FB9];
	_ =	sdelay $0x3  }
0x36: {  	p1 =	seq.s32 s10, $0x1;
	s10 =	sld [smem:$0x3FBA];
	_ =	sdelay $0x3  }
0x37: {  	[smem:$0x3FBA] =	sst s10  }
0x38: {  	s10 =	sld [smem:$0x3FBB]  }
0x39: {  	_ = 	snop;
	(pc) =	sbr.ind lr, $3  }
0x3a: {  	_ = 	snop  }
0x3b: {  	_ = 	snop  }
0x3c: {  	p2 =	seq.s32 s10, $0x1;
	s10 =	sld [smem:$0x3FBA]  }
0x3d: {  	_ =	shalt  }
0x3e: {  	_ =	shalt  }
0x3f: {  	_ =	shalt  }
0x40: {  	_ =	shalt  }
0x41: {  	_ =	shalt  }
0x42: {  	_ =	shalt  }
0x43: {  	_ =	shalt  }
0x44: {  	_ =	shalt  }
0x45: {  	_ =	shalt  }
0x46: {  	_ =	shalt  }
0x47: {  	_ =	shalt  }
0x48: {  	_ =	shalt  }
0x49: {  	_ =	shalt  }
0x4a: {  	_ =	shalt  }
0x4b: {  	_ =	shalt  }
0x4c: {  	_ =	shalt  }
0x4d: {  	_ =	shalt  }
0x4e: {  	_ =	shalt  }
0x4f: {  	_ =	shalt  }
0x50: {  	_ =	shalt  }
0x51: {  	_ =	shalt  }
0x52: {  	_ =	shalt  }
0x53: {  	_ =	shalt  }
0x54: {  	_ =	shalt  }
0x55: {  	_ =	shalt  }
0x56: {  	_ =	shalt  }
0x57: {  	_ =	shalt  }
0x58: {  	_ =	shalt  }
0x59: {  	_ =	shalt  }
0x5a: {  	_ =	shalt  }
0x5b: {  	_ =	shalt  }
0x5c: {  	_ =	shalt  }
0x5d: {  	_ =	shalt  }
0x5e: {  	_ =	shalt  }
0x5f: {  	_ =	shalt  }
0x60: {  	_ =	shalt  }
0x61: {  	_ =	shalt  }
0x62: {  	_ =	shalt  }
0x63: {  	_ =	shalt  }
0x64: {  	_ =	shalt  }
0x65: {  	_ =	shalt  }
0x66: {  	_ =	shalt  }
0x67: {  	_ =	shalt  }
0x68: {  	_ =	shalt  }
0x69: {  	_ =	shalt  }
0x6a: {  	_ =	shalt  }
0x6b: {  	_ =	shalt  }
0x6c: {  	_ =	shalt  }
0x6d: {  	_ =	shalt  }
0x6e: {  	_ =	shalt  }
0x6f: {  	_ =	shalt  }
0x70: {  	_ =	shalt  }
0x71: {  	_ =	shalt  }
0x72: {  	_ =	shalt  }
0x73: {  	_ =	shalt  }
0x74: {  	_ =	shalt  }
0x75: {  	_ =	shalt  }
0x76: {  	_ =	shalt  }
0x77: {  	_ =	shalt  }
0x78: {  	_ =	shalt  }
0x79: {  	_ =	shalt  }
0x7a: {  	_ =	shalt  }
0x7b: {  	_ =	shalt  }
0x7c: {  	_ =	shalt  }
0x7d: {  	_ =	shalt  }
0x7e: {  	_ =	shalt  }
0x7f: {  	_ =	shalt  }
0x80: {  	_ =	shalt  }
0x81: {  	_ =	shalt  }
0x82: {  	_ =	shalt  }
0x83: {  	_ =	shalt  }
0x84: {  	_ =	shalt  }
0x85: {  	_ =	shalt  }
0x86: {  	_ =	shalt  }
0x87: {  	_ =	shalt  }
.Lfunc_end0:
.L_simem_size_0:
called_computation_lowered:
.L_overlay_start_0:
0x88: {  	s2 =	sld [smem:$0x3FD9]  }
0x89: {  	s3 =	sld [smem:$0x3FFE];
	_ =	sdelay $0x1  }
0x8a: {  	s1 =	srdreg.scid  }
0x8b: {  	s0 =	sand.u32 $0x1, s1  }
0x8c: {  	s18 =	sshll.u32 s0, $0xA;
	s2 =	sadd.s32 s3, s2  }
0x8d: {  	s2 =	sadd.s32 s2, s18  }
0x8e: {  	[smem:$0x3FC6] =	sst s2  }
0x8f: {  	_ = 	snop  }
0x90: {  	s2 =	sld [smem:$0x3FC9]  }
0x91: {  	s19 =	sld [smem:$0x3FC8]  }
0x92: {  	s4 =	sld [smem:$0x3FD0];
	(tm) =	ssettm $0x1  }
0x93: {  	s5 =	sld [smem:$0x3FFB];
	_ =	sdelay $0x3  }
0x94: {  	_ =	strace s5  }
0x95: {  	s5 =	sld [smem:$0x3FFC];
	_ =	sdelay $0x3  }
0x96: {  	_ =	strace s5  }
0x97: {  	s5 =	sld [smem:$0x3FFD];
	_ =	sdelay $0x3  }
0x98: {  	_ =	strace s5  }
0x99: {  	_ =	strace $0x8FFFFFFF  }
0x9a: {  	s20 =	sld [smem:$0x3FDB];
	_ =	sdelay $0x1  }
0x9b: {  	s6 =	simm.s32 $_scs_section_size  }
0x9c: {  	s7 =	simm.s32 $_size__tile_overlayer_lowered;
	s8 =	simm.s32 $_tile_overlayer_lowered  }
0x9d: {  	s23 =	simm.s32 $0x1BFF;
	s22 =	sshll.u32 s8, $0x1;
	s5 =	sadd.s32 s6, s20  }
0x9e: {  	s9 =	simm.s32 $0x0;
	s21 =	sshll.u32 s7, $0x1;
	s7 =	sadd.s32 s22, s5  }
0x9f: {  	[timem:s9], [sflag:s23] =	dma.local [hbm:s7], s21  }
0xa0: {  	_ =	swait.ge [sflag:s23], s21  }
0xa1: {  	s6 =	ssub.s32 $0x0, s21;
	[sflag:s23] =	ssyncset.done $0x0  }
0xa2: {  	[sflag:s23] =	ssyncadd.s32 s6;
	_ =	sdelay $0x1  }
0xa3: {  	s24 =	simm.s32 $0x1B8B  }
0xa4: {  	_ =	swait.ge [sflag:s24], $0x1  }
0xa5: {  	[sflag:s24] =	ssyncset.done $0x0  }
0xa6: {  	s25 =	simm.s32 $0x1B8E;
	[sflag:s24] =	ssyncadd.s32 $0xFFFFFFFF  }
0xa7: {  	s26 =	simm.s32 $execute0_lowered;
	[smem:$0x3FD2] =	sst s25  }
0xa8: {  	s6 =	sshll.u32 s26, $0x1;
	_ =	strace $0x80000046;
	[dreg:$0x1] =	wrdreg $0xFFFFFFFF  }
0xa9: {  	s28 =	simm.s32 $_size_execute0_lowered;
	s5 =	sadd.s32 s5, s6;
	[dreg:$0x0] =	wrdreg $0x0  }
0xaa: {  	s6 =	sshll.u32 s28, $0x1;
	[dreg:$0x2] =	wrdreg s5  }
0xab: {  	[dreg:$0x3] =	wrdreg s6  }
0xac: {  	[dreg:$0x4] =	wrdreg $0xC0  }
0xad: {  	_ =	task [dreg:s9], $0x5FFFF  }
0xae: {  	[dreg:$0x1] =	wrdreg $0xFFFFFFFF  }
0xaf: {  	[dreg:$0x0] =	wrdreg $0x60  }
0xb0: {  	[dreg:$0x2] =	wrdreg s2  }
0xb1: {  	[dreg:$0x3] =	wrdreg s19  }
0xb2: {  	[dreg:$0x4] =	wrdreg s4  }
0xb3: {  	[dreg:$0x5] =	wrdreg $0x9  }
0xb4: {  	_ =	task.clear_ibuf [dreg:s9], $0x6FFFF;
	_ =	strace $0x90000046  }
0xb5: {  	s29 =	simm.s32 $0x9;
	_ =	strace $0x80000048  }
0xb6: {  	_ =	swait.ge [sflag:s29], $0x1  }
0xb7: {  	[sflag:s29] =	ssyncadd.s32 $0xFFFFFFFF  }
0xb8: {  	_ =	strace $0x90000048  }
0xb9: {  	_ =	sfence  }
0xba: {  	s30 =	sld [smem:$0x0];
	_ =	sdelay $0x2  }
0xbb: {  	s31 =	sshll.u32 s1, $0xD;
	s1 =	sshrl.u32 s1, $0x2  }
0xbc: {  	s3 =	sand.u32 $0x4000, s31;
	s1 =	sadd.s32 s1, s30  }
0xbd: {  	s0 =	sor.u32 s3, s0;
	s1 =	sshll.u32 s1, $0x11  }
0xbe: {  	s0 =	sor.u32 s1, s0  }
0xbf: {  	s0 =	sadd.s32 $0x8F2B, s0  }
0xc0: {  	[sflag:s0] =	ssyncadd.remote.s32 $0x1  }
0xc1: {  	_ =	sfence.sel $0xFFFF  }
0xc2: {  	[dreg:$0x0] =	wrdreg $0xFFFFFFFF;
	(pc) =	sbr.abs _section_cstart, $3  }
0xc3: {  	[dreg:$0x1] =	wrdreg $0xFFFFFFFF  }
0xc4: {  	_ =	task.clear_ibuf [dreg:s9], $0x2FFFF;
	_ =	strace $0x9FFFFFFF  }
0xc5: {  	(tm) =	ssettm $0x7FFFFFFF  }
tec
execute0_lowered:
.L_overlay_start_1:
0x0: {  	(tag) =	ssettag $0x1  }
0x1: {  	s0 =	rddreg [dreg:$0x0]  }
0x2: {  	s2 =	rddreg [dreg:$0x1]  }
0x3: {  	s1 =	rddreg [dreg:$0x2];
	s3 =	srdreg.scid  }
0x4: {  	s9 =	stileid.u32;
	s19 =	simm.s32 $0x80;
	s10 =	simm.s32 $0x1C00  }
0x5: {  	s12 =	simm.s32 $0x11C00;
	s13 =	simm.s32 $0x15C00;
	s15 =	simm.s32 $0x19C00  }
0x6: {  	s17 =	simm.s32 $0x5;
	s29 =	simm.s32 $0xB;
	s31 =	simm.s32 $0xC  }
0x7: {  	s4 =	sand.u32 $0x1, s3;
	s3 =	simm.s32 $0x0;
	s5 =	sshll.u32 s9, $0x8  }
0x8: {  	s25 =	sshll.u32 s9, $0xC;
	s9 =	simm.s32 $0x0;
	s6 =	sshll.u32 s4, $0x7  }
0x9: {  	[smem:$0x7FF] =	sst s3;
	s20 =	ssub.s32 $0x2, s4;
	s5 =	sor.u32 s6, s5  }
0xa: {  	_ =	strace $0x80000047;
	s7 =	sshll.u32 s5, $0x4;
	s5 =	sadd.s32 s0, s5  }
0xb: {  	s8 =	sshrl.u32 s20, $0x1;
	[dreg:$0x4] =	wrdreg s5;
	s5 =	sadd.s32 $0x6000, s5  }
0xc: {  	s21 =	ssub.s32 s20, s8;
	s7 =	sadd.s32 s1, s7;
	[dreg:$0x6] =	wrdreg s5  }
0xd: {  	s4 =	sshll.u32 s4, $0xB;
	s0 =	smax.u32 s21, $0x1;
	[dreg:$0x5] =	wrdreg s7  }
0xe: {  	s6 =	simm.s32 $0xD;
	s22 =	sadd.s32 $0x10000, s7;
	[dreg:$0xd] =	wrdreg s0  }
0xf: {  	s8 =	simm.s32 $0x8;
	s23 =	sadd.s32 $0x20000, s7;
	[dreg:$0x7] =	wrdreg s22  }
0x10: {  	s1 =	sadd.s32 s25, s1;
	s24 =	sadd.s32 $0x2E0000, s7;
	[dreg:$0x8] =	wrdreg s23  }
0x11: {  	s25 =	simm.s32 $0x9;
	s26 =	sadd.s32 $0x2F0000, s7;
	[dreg:$0x9] =	wrdreg s24  }
0x12: {  	s28 =	sadd.s32 $0x300000, s7;
	s30 =	sadd.s32 $0x310000, s7;
	[dreg:$0xa] =	wrdreg s26  }
0x13: {  	s1 =	sadd.s32 s4, s1;
	s7 =	simm.s32 $0xE;
	[dreg:$0xb] =	wrdreg s28  }
0x14: {  	[dreg:$0xc] =	wrdreg s30;
	s14 =	sadd.s32 $0x30000, s1;
	s1 =	simm.s32 $0x1  }
0x15: {  	s22 =	simm.s32 $0x6;
	s24 =	simm.s32 $0x7;
	s26 =	simm.s32 $0xA  }
.LBB2_1:
0x16: {  	s0 =	rddreg [dreg:$0x4];
	s4 =	simm.s32 $0x400;
	s5 =	simm.s32 $0x8000  }
0x17: {  	[tilespmem:s3], [sflag:$0xF] =	stream.strided.gather [hbm4b:s0+s4], $0x1800, s5, s4, $0x38;
	[tilespmem:$0x1DC00] =	vst v63  }
0x18: {  	s23 =	rddreg [dreg:$0x6];
	s30 =	simm.s32 $0x1800;
	s4 =	simm.s32 $0xF  }
0x19: {  	[tilespmem:s30], [sflag:$0xF] =	stream.linear.gather [hbm4b:s23+s3], $0x100, $0x38;
	[tilespmem:$0x1DC00] =	vst v63  }
0x1a: {  	_ =	swait.ge [sflag:s4], $0x1900  }
0x1b: {  	[sflag:s4] =	ssyncset.done $0x0  }
0x1c: {  	[sflag:s4] =	ssyncadd.s32 $0xFFFFE700  }
0x1d: {  	[tilespmem:s10], [sflag:$0x1] =	stream.indirect.gather [hbm4b:s2+s19], $0x80, s3, s19, $0xb8;
	[tilespmem:$0x1DC00] =	vst v63  }
0x1e: {  	s5 =	simm.s32 $0x5C00  }
0x1f: {  	[tilespmem:s5], [sflag:$0x2] =	stream.indirect.gather [hbm4b:s2+s19], $0x80, s19, s19, $0xb8;
	[tilespmem:$0x1DC00] =	vst v63  }
0x20: {  	s11 =	simm.s32 $0x100;
	s16 =	simm.s32 $0x9C00  }
0x21: {  	[tilespmem:s16], [sflag:$0x3] =	stream.indirect.gather [hbm4b:s2+s19], $0x80, s11, s19, $0xb8;
	[tilespmem:$0x1DC00] =	vst v63  }
0x22: {  	s18 =	simm.s32 $0x180;
	s11 =	simm.s32 $0xDC00  }
0x23: {  	[tilespmem:s11], [sflag:$0x4] =	stream.indirect.gather [hbm4b:s2+s19], $0x80, s18, s19, $0xb8;
	[tilespmem:$0x1DC00] =	vst v63  }
0x24: {  	s20 =	simm.s32 $0x200  }
0x25: {  	[tilespmem:s12], [sflag:$0x5] =	stream.indirect.gather [hbm4b:s2+s19], $0x80, s20, s19, $0xb8;
	[tilespmem:$0x1DC00] =	vst v63  }
0x26: {  	s21 =	simm.s32 $0x280  }
0x27: {  	[tilespmem:s13], [sflag:$0x6] =	stream.indirect.gather [hbm4b:s2+s19], $0x80, s21, s19, $0xb8;
	[tilespmem:$0x1DC00] =	vst v63  }
0x28: {  	s23 =	simm.s32 $0x300  }
0x29: {  	[tilespmem:s15], [sflag:$0x7] =	stream.indirect.gather [hbm4b:s2+s19], $0x80, s23, s19, $0xb8;
	[tilespmem:$0x1DC00] =	vst v63  }
0x2a: {  	_ =	swait.ge [sflag:s1], $0x4000  }
0x2b: {  	[sflag:s1] =	ssyncset.done $0x0  }
0x2c: {  	s30 =	rddreg [dreg:$0x5];
	[sflag:s1] =	ssyncadd.s32 $0xFFFFC000  }
0x2d: {  	[hbm4b:s30+s3] =	stream.linear.scatter [tilespmem:s10], [sflag:$0x8], $0x4000, $0x38;
	[tilespmem:$0x1DC00] =	vst v63  }
0x2e: {  	s10 =	simm.s32 $0x2  }
0x2f: {  	s13 =	smul.u32 $0x25, s24;
	_ =	swait.ge [sflag:s10], $0x4000  }
0x30: {  	s12 =	simm.s32 $0x3;
	[sflag:s10] =	ssyncset.done $0x0  }
0x31: {  	s0 =	sadd.s32 $0xFFFFFF6C, s13;
	s11 =	rddreg [dreg:$0x7];
	[sflag:s10] =	ssyncadd.s32 $0xFFFFC000  }
0x32: {  	[hbm4b:s11+s3] =	stream.linear.scatter [tilespmem:s5], [sflag:$0x9], $0x4000, $0x38;
	[tilespmem:$0x1DC00] =	vst v63  }
0x33: {  	s0 =	sshrl.u32 s0, $0x8;
	_ =	swait.ge [sflag:s12], $0x4000  }
0x34: {  	s23 =	ssub.s32 $0x3, s0;
	[sflag:s12] =	ssyncset.done $0x0  }
0x35: {  	s15 =	rddreg [dreg:$0x8];
	[sflag:s12] =	ssyncadd.s32 $0xFFFFC000;
	s12 =	simm.s32 $0x8  }
0x36: {  	[hbm4b:s15+s3] =	stream.linear.scatter [tilespmem:s16], [sflag:$0xA], $0x4000, $0x38;
	[tilespmem:$0x1DC00] =	vst v63  }
0x37: {  	s30 =	simm.s32 $0x0;
	s16 =	sshrl.u32 s13, $0x8;
	s4 =	smul.u32 $0x25, s12  }
0x38: {  	s13 =	sand.u32 $0xFE, s23;
	s15 =	smul.u32 $0xFFFFFF93, s30;
	s18 =	ssub.s32 $0x7, s16  }
0x39: {  	s28 =	simm.s32 $0x380;
	s13 =	sshrl.u32 s13, $0x1;
	s5 =	sand.u32 $0xFE, s18  }
0x3a: {  	s20 =	sshrl.u32 s4, $0x8;
	s0 =	sadd.s32 s0, s13;
	s13 =	sshrl.u32 s15, $0x8  }
0x3b: {  	s5 =	sshrl.u32 s5, $0x1;
	s21 =	ssub.s32 $0x8, s20;
	s0 =	sand.u32 $0xFC, s0  }
0x3c: {  	s5 =	sadd.s32 s16, s5;
	s11 =	sand.u32 $0xFE, s21;
	s0 =	sshrl.u32 s0, $0x2  }
0x3d: {  	s5 =	sand.u32 $0xFC, s5;
	s11 =	sshrl.u32 s11, $0x1;
	s0 =	smul.u32 $0x7, s0  }
0x3e: {  	s5 =	sshrl.u32 s5, $0x2;
	s10 =	sadd.s32 s20, s11;
	s11 =	sadd.s32 $0x0, s13  }
0x3f: {  	s5 =	smul.u32 $0x7, s5;
	s10 =	sand.u32 $0xFC, s10;
	s15 =	sand.u32 $0x80, s11  }
0x40: {  	s11 =	sshll.u32 s11, $0x18;
	s0 =	ssub.s32 $0x3, s0;
	s10 =	sshrl.u32 s10, $0x2  }
0x41: {  	s13 =	sshrl.u32 s15, $0x7;
	s11 =	sshra.s32 s11, $0x1A;
	s0 =	sand.u32 $0xFF, s0  }
0x42: {  	s5 =	ssub.s32 $0x7, s5;
	s10 =	smul.u32 $0x7, s10;
	s21 =	sadd.s32 s13, s11  }
0x43: {  	s23 =	sadd.s32 $0x1, s0;
	s16 =	sand.u32 $0xFF, s5;
	s5 =	smul.u32 $0x7, s21  }
0x44: {  	s30 =	sshll.u32 s0, $0xE;
	s0 =	sor.u32 $0x8, s0;
	_ =	swait.ge [sflag:s23], $0x4000  }
0x45: {  	s11 =	sor.u32 $0x1C00, s30;
	[sflag:s23] =	ssyncset.done $0x0;
	s5 =	ssub.s32 $0x0, s5  }
0x46: {  	s10 =	ssub.s32 $0x8, s10;
	[sflag:s23] =	ssyncadd.s32 $0xFFFFC000;
	s5 =	sshll.u32 s5, $0x18  }
0x47: {  	[hbm4b:s14+s3] =	stream.linear.scatter [tilespmem:s11], [sflag:s0], $0x4000, $0x38;
	[tilespmem:$0x1DC00] =	vst v63  }
0x48: {  	s18 =	sshll.u32 s16, $0xE;
	s15 =	sadd.s32 $0x1, s16;
	s5 =	sshra.s32 s5, $0x18  }
0x49: {  	s13 =	sand.u32 $0xFF, s10;
	s23 =	simm.s32 $0x9;
	s5 =	sadd.s32 $0x8, s5  }
0x4a: {  	s10 =	simm.s32 $0x400;
	s20 =	sor.u32 $0x1C00, s18;
	_ =	swait.ge [sflag:s5], $0x4000  }
0x4b: {  	s21 =	sshll.u32 s13, $0xE;
	s11 =	sadd.s32 $0x10000, s14;
	[sflag:s5] =	ssyncset.done $0x0  }
.LBB2_2:
0x4c: {  	s16 =	smul.u32 $0x25, s23;
	[sflag:s5] =	ssyncadd.s32 $0xFFFFC000;
	s5 =	smov.u32 s23  }
0x4d: {  	s18 =	sadd.s32 $0x1, s23;
	s30 =	smov.u32 s13;
	s0 =	smov.u32 s21  }
0x4e: {  	[tilespmem:s20], [sflag:s15] =	stream.indirect.gather [hbm4b:s2+s19], $0x80, s28, s19, $0xb8;
	[tilespmem:$0x1DC00] =	vst v63  }
0x4f: {  	p0 =	sne.s32 s23, $0x31;
	s4 =	sadd.s32 $0xFFFFFF6C, s4;
	s15 =	sadd.s32 $0xFFFFFFFC, s12  }
0x50: {  	s4 =	sshrl.u32 s4, $0x8;
	s20 =	sadd.s32 $0xFFFFFFF9, s12;
	s13 =	sshrl.u32 s16, $0x8  }
0x51: {  	s21 =	ssub.s32 s15, s4;
	s23 =	sshll.u32 s20, $0x18;
	s12 =	ssub.s32 s5, s13  }
0x52: {  	s21 =	sand.u32 $0xFE, s21;
	s23 =	sshra.s32 s23, $0x18;
	s12 =	sand.u32 $0xFE, s12  }
0x53: {  	s21 =	sshrl.u32 s21, $0x1;
	s23 =	smul.u32 $0xFFFFFF93, s23;
	s12 =	sshrl.u32 s12, $0x1  }
0x54: {  	s12 =	sadd.s32 s13, s12;
	s13 =	sadd.s32 s4, s21;
	s4 =	smov.u32 s16  }
0x55: {  	s16 =	sshrl.u32 s23, $0x8;
	s12 =	sand.u32 $0xFC, s12;
	s13 =	sand.u32 $0xFC, s13  }
0x56: {  	s16 =	sadd.s32 s20, s16;
	s12 =	sshrl.u32 s12, $0x2;
	s13 =	sshrl.u32 s13, $0x2  }
0x57: {  	s21 =	sand.u32 $0x80, s16;
	s16 =	sshll.u32 s16, $0x18;
	s13 =	smul.u32 $0x7, s13  }
0x58: {  	s23 =	smul.u32 $0x7, s12;
	s12 =	sshrl.u32 s21, $0x7;
	s16 =	sshra.s32 s16, $0x1A  }
0x59: {  	s13 =	ssub.s32 s15, s13;
	s15 =	sadd.s32 s12, s16;
	s12 =	smov.u32 s5  }
0x5a: {  	s5 =	ssub.s32 s12, s23;
	s15 =	smul.u32 $0x7, s15  }
0x5b: {  	s16 =	sand.u32 $0xFF, s13;
	s13 =	sand.u32 $0xFF, s5  }
0x5c: {  	s5 =	sadd.s32 $0x1, s16;
	s23 =	sshll.u32 s16, $0xE;
	s15 =	ssub.s32 s20, s15  }
0x5d: {  	s21 =	sshll.u32 s13, $0xE;
	_ =	swait.ge [sflag:s5], $0x4000;
	s15 =	sshll.u32 s15, $0x18  }
0x5e: {  	s20 =	sor.u32 $0x1C00, s23;
	[sflag:s5] =	ssyncset.done $0x0;
	s15 =	sshra.s32 s15, $0x18  }
.Ltmp0:
0x5f: {  	[sflag:s5] =	ssyncadd.s32 $0xFFFFC000;
	s5 =	sor.u32 $0x8, s16;
	(pc) =	sbr.rel @p0 .LBB2_2-.Ltmp0, $4  }
0x60: {  	[hbm4b:s11+s3] =	stream.linear.scatter [tilespmem:s20], [sflag:s5], $0x4000, $0x38;
	[tilespmem:$0x1DC00] =	vst v63  }
0x61: {  	s28 =	smov.u32 s10;
	s10 =	sadd.s32 $0x80, s10;
	s5 =	sadd.s32 $0x8, s15  }
0x62: {  	s23 =	smov.u32 s18;
	s11 =	sadd.s32 $0x10000, s11;
	_ =	swait.ge [sflag:s5], $0x4000  }
0x63: {  	s20 =	sor.u32 $0x1C00, s0;
	s15 =	sadd.s32 $0x1, s30;
	[sflag:s5] =	ssyncset.done $0x0  }
0x64: {  	[sflag:s5] =	ssyncadd.s32 $0xFFFFC000;
	s0 =	sadd.s32 $0xFFFFFF6C, s4  }
0x65: {  	[tilespmem:s20], [sflag:s15] =	stream.indirect.gather [hbm4b:s2+s19], $0x80, s28, s19, $0xb8;
	[tilespmem:$0x1DC00] =	vst v63  }
0x66: {  	s15 =	sadd.s32 $0xFFFFFFFC, s12;
	s0 =	sshrl.u32 s0, $0x8  }
0x67: {  	s16 =	ssub.s32 s15, s0  }
0x68: {  	s18 =	sadd.s32 $0xFFFFFFF9, s12;
	s5 =	sand.u32 $0xFE, s16  }
0x69: {  	s12 =	sshll.u32 s18, $0x18;
	s5 =	sshrl.u32 s5, $0x1  }
0x6a: {  	s12 =	sshra.s32 s12, $0x18;
	s0 =	sadd.s32 s0, s5  }
0x6b: {  	s12 =	smul.u32 $0xFFFFFF93, s12;
	s0 =	sand.u32 $0xFC, s0  }
0x6c: {  	s0 =	sshrl.u32 s0, $0x2  }
0x6d: {  	s20 =	sshrl.u32 s12, $0x8;
	s0 =	smul.u32 $0x7, s0  }
0x6e: {  	s4 =	sadd.s32 s18, s20  }
0x6f: {  	s28 =	sand.u32 $0x80, s4;
	s4 =	sshll.u32 s4, $0x18;
	s0 =	ssub.s32 s15, s0  }
0x70: {  	s4 =	sshra.s32 s4, $0x1A;
	s15 =	sshrl.u32 s28, $0x7;
	s0 =	sand.u32 $0xFF, s0  }
0x71: {  	s4 =	sadd.s32 s15, s4;
	s23 =	sadd.s32 $0x1, s0  }
0x72: {  	s4 =	smul.u32 $0x7, s4;
	_ =	swait.ge [sflag:s23], $0x4000  }
0x73: {  	s30 =	sshll.u32 s0, $0xE;
	s0 =	sor.u32 $0x8, s0;
	[sflag:s23] =	ssyncset.done $0x0  }
0x74: {  	s12 =	sor.u32 $0x1C00, s30;
	s15 =	ssub.s32 s18, s4;
	[sflag:s23] =	ssyncadd.s32 $0xFFFFC000  }
0x75: {  	[hbm4b:s11+s3] =	stream.linear.scatter [tilespmem:s12], [sflag:s0], $0x4000, $0x38;
	[tilespmem:$0x1DC00] =	vst v63  }
0x76: {  	s0 =	sshll.u32 s15, $0x18  }
0x77: {  	s0 =	sshra.s32 s0, $0x18  }
0x78: {  	s0 =	sadd.s32 $0x8, s0  }
0x79: {  	_ =	swait.ge [sflag:s0], $0x4000  }
0x7a: {  	[sflag:s0] =	ssyncset.done $0x0  }
0x7b: {  	s16 =	sor.u32 $0x1C00, s21;
	s18 =	sadd.s32 $0x1, s13;
	[sflag:s0] =	ssyncadd.s32 $0xFFFFC000  }
0x7c: {  	[tilespmem:s16], [sflag:s18] =	stream.indirect.gather [hbm4b:s2+s19], $0x80, s10, s19, $0xb8;
	[tilespmem:$0x1DC00] =	vst v63  }
0x7d: {  	_ =	swait.ge [sflag:s17], $0x4000  }
0x7e: {  	[sflag:s17] =	ssyncset.done $0x0  }
0x7f: {  	s12 =	simm.s32 $0x11C00;
	s20 =	rddreg [dreg:$0x9];
	[sflag:s17] =	ssyncadd.s32 $0xFFFFC000  }
0x80: {  	[hbm4b:s20+s3] =	stream.linear.scatter [tilespmem:s12], [sflag:$0xC], $0x4000, $0x38;
	[tilespmem:$0x1DC00] =	vst v63  }
0x81: {  	_ =	swait.ge [sflag:s22], $0x4000  }
0x82: {  	[sflag:s22] =	ssyncset.done $0x0  }
0x83: {  	s13 =	simm.s32 $0x15C00;
	s21 =	rddreg [dreg:$0xa];
	[sflag:s22] =	ssyncadd.s32 $0xFFFFC000  }
0x84: {  	[hbm4b:s21+s3] =	stream.linear.scatter [tilespmem:s13], [sflag:$0xD], $0x4000, $0x38;
	[tilespmem:$0x1DC00] =	vst v63  }
0x85: {  	_ =	swait.ge [sflag:s24], $0x4000  }
0x86: {  	[sflag:s24] =	ssyncset.done $0x0  }
0x87: {  	s15 =	simm.s32 $0x19C00;
	s23 =	rddreg [dreg:$0xb];
	[sflag:s24] =	ssyncadd.s32 $0xFFFFC000  }
0x88: {  	[hbm4b:s23+s3] =	stream.linear.scatter [tilespmem:s15], [sflag:$0xE], $0x4000, $0x38;
	[tilespmem:$0x1DC00] =	vst v63  }
0x89: {  	_ =	swait.ge [sflag:s1], $0x4000  }
0x8a: {  	[sflag:s1] =	ssyncset.done $0x0  }
0x8b: {  	s10 =	simm.s32 $0x1C00;
	s28 =	rddreg [dreg:$0xc];
	[sflag:s1] =	ssyncadd.s32 $0xFFFFC000  }
0x8c: {  	[hbm4b:s28+s3] =	stream.linear.scatter [tilespmem:s10], [sflag:$0x8], $0x4000, $0x38;
	[tilespmem:$0x1DC00] =	vst v63  }
0x8d: {  	_ =	swait.ge [sflag:s25], $0x4000  }
0x8e: {  	[sflag:s25] =	ssyncset.done $0x0  }
0x8f: {  	[sflag:s25] =	ssyncadd.s32 $0xFFFFC000  }
0x90: {  	_ =	swait.ge [sflag:s26], $0x4000  }
0x91: {  	[sflag:s26] =	ssyncset.done $0x0  }
0x92: {  	[sflag:s26] =	ssyncadd.s32 $0xFFFFC000  }
0x93: {  	_ =	swait.ge [sflag:s29], $0x4000  }
0x94: {  	[sflag:s29] =	ssyncset.done $0x0  }
0x95: {  	[sflag:s29] =	ssyncadd.s32 $0xFFFFC000  }
0x96: {  	_ =	swait.ge [sflag:s31], $0x4000  }
0x97: {  	[sflag:s31] =	ssyncset.done $0x0  }
0x98: {  	[sflag:s31] =	ssyncadd.s32 $0xFFFFC000  }
0x99: {  	_ =	swait.ge [sflag:s6], $0x4000  }
0x9a: {  	[sflag:s6] =	ssyncset.done $0x0  }
0x9b: {  	[sflag:s6] =	ssyncadd.s32 $0xFFFFC000  }
0x9c: {  	_ =	swait.ge [sflag:s7], $0x4000  }
0x9d: {  	[sflag:s7] =	ssyncset.done $0x0  }
0x9e: {  	[sflag:s7] =	ssyncadd.s32 $0xFFFFC000  }
0x9f: {  	_ =	swait.ge [sflag:s8], $0x4000  }
0xa0: {  	s9 =	sadd.s32 $0x1, s9;
	s30 =	rddreg [dreg:$0xd]  }
0xa1: {  	p0 =	sne.s32 s9, s30  }
.Ltmp1:
0xa2: {  	_ = 	snop;
	(pc) =	sbr.rel @p0 .LBB2_1-.Ltmp1, $3  }
0xa3: {  	_ =	sdelay $0x1  }
0xa4: {  	[sflag:s8] =	ssyncset.done $0x0  }
0xa5: {  	[sflag:s8] =	ssyncadd.s32 $0xFFFFC000  }
0xa6: {  	_ =	sfence.sel $0x180000  }
0xa7: {  	[bflag:$0x0] =	sbarrier.arrive $0xFFFF  }
0xa8: {  	_ =	strace $0x90000047  }
0xa9: {  	s0 =	stileid.u32;
	[bflag:$0x2] =	sbarrier.arrive $0xFFFF  }
0xaa: {  	p0 =	sne.s32 s0, $0x0;
	s0 =	rddreg [dreg:$0x3]  }
0xab: {  	s0 =	sadd.s32 @!p0 $0x100000, s0  }
0xac: {  	[sflag:s0] =	ssyncadd.tile.s32 @!p0 $0x1;
	_ =	shalt  }
.Lfunc_end2:
_tile_overlayer_lowered:
.L_overlay_start_2:
0xad: {  	(tag) =	ssettag $0x2  }
0xae: {  	s0 =	rddreg [dreg:$0x0];
	s2 =	stileid.u32  }
0xaf: {  	s1 =	rddreg [dreg:$0x1];
	p0 =	sne.s32 s2, $0x0  }
0xb0: {  	s3 =	rddreg [dreg:$0x2];
	[bflag:$0x3] =	sbarrier.arrive $0xFFFF;
	s2 =	simm.s32 @!p0 $0x1C0F  }
0xb1: {  	[timem:s3], [sflag:s2] =	dma.local @!p0 [hbm:s0], s1  }
0xb2: {  	s0 =	simm.s32 @!p0 $0xF  }
0xb3: {  	_ =	swait.ge @!p0 [sflag:s0], s1  }
0xb4: {  	s1 =	ssub.s32 @!p0 $0x0, s1;
	[sflag:s0] =	ssyncset.done @!p0 $0x0  }
0xb5: {  	[sflag:s0] =	ssyncadd.s32 @!p0 s1  }
0xb6: {  	[bflag:$0x3] =	sbarrier.arrive $0xFFFF  }
0xb7: {  	_ =	shalt  }

</sc_bundles>
